<compile_context>
chip_gen: v7x
topology: tpu7x:2x2x1
jax: 0.10.2.dev20260603
libtpu: 0.0.44.dev20260713+nightly
codegen_flags: <defaults>
</compile_context>

<pallas_src>
import jax
import jax.numpy as jnp
from jax.experimental import pallas as pl
from jax.experimental.pallas import tpu as pltpu
from jax.experimental.pallas import tpu_sc as plsc

VOCAB = 1000000
D_MODEL = 64
SCALE = 8.0
IDX_ROW = 128
GATHERS = 4
WINDOW = IDX_ROW * GATHERS


LUT_LANES = 6400
PACK_ROWS = 64 * ((VOCAB + 127) // 128)


def _pack_scale_lut(lut_t):
    grid = (VOCAB + LUT_LANES - 1) // LUT_LANES

    def body(x_ref, o_ref):
        t = (x_ref[...] * SCALE).T
        for k in range(LUT_LANES // 128):
            o_ref[64 * k : 64 * (k + 1)] = jnp.concatenate(
                [t[128 * k : 128 * k + 64], t[128 * k + 64 : 128 * (k + 1)]],
                axis=1,
            )

    return pl.pallas_call(
        body,
        grid=(grid,),
        in_specs=[pl.BlockSpec((D_MODEL, LUT_LANES), lambda i: (0, i))],
        out_specs=pl.BlockSpec((LUT_LANES // 2, 128), lambda i: (i, 0)),
        out_shape=jax.ShapeDtypeStruct((PACK_ROWS, 128), jnp.float32),
    )(lut_t)




def _prep_idx(xt):
    s, b = xt.shape

    def body(x_ref, o_ref):
        v = x_ref[...]
        p = 128 * (v >> 7) + 2 * (v & 63) + ((v >> 6) & 1)
        l = jax.lax.broadcasted_iota(jnp.int32, (128, 128), 0)
        j = jax.lax.broadcasted_iota(jnp.int32, (128, 128), 1)
        g = (j == 2 * (l & 63) + ((l >> 6) & 1)).astype(jnp.float32)
        permuted = jnp.dot(
            p.astype(jnp.float32),
            g,
            preferred_element_type=jnp.float32,
            precision=jax.lax.Precision.HIGHEST,
        )
        o_ref[...] = permuted.astype(jnp.int32)

    return pl.pallas_call(
        body,
        grid=(b // 128,),
        in_specs=[pl.BlockSpec((s, 128), lambda i: (0, i))],
        out_specs=pl.BlockSpec((s, 128), lambda i: (0, i)),
        out_shape=jax.ShapeDtypeStruct((s, b), jnp.int32),
    )(xt)




def _sc_gather(lut_lin, idx2d, n):
    vector_mesh = plsc.VectorSubcoreMesh(
        core_axis_name="core", subcore_axis_name="subcore"
    )

    @pl.kernel(
        out_type=jax.ShapeDtypeStruct((n, D_MODEL), jnp.float32),
        mesh=vector_mesh,
        scratch_types=[pltpu.SemaphoreType.DMA],
        compiler_params=pltpu.CompilerParams(use_tc_tiling_on_sc=False),
    )
    def run(lut_hbm, i_hbm, o_hbm, sem):
        def body(i_vmem, o_vmem):
            copies = [
                pltpu.async_copy(
                    lut_hbm.at[i_vmem.at[j]],
                    o_vmem.at[pl.ds(j * IDX_ROW, IDX_ROW)],
                    sem,
                )
                for j in range(GATHERS)
            ]
            for c in copies:
                c.wait()

        pltpu.emit_pipeline(
            body,
            grid=(n // WINDOW,),
            in_specs=[pl.BlockSpec((GATHERS, IDX_ROW), lambda i: (i, 0))],
            out_specs=[pl.BlockSpec((WINDOW, D_MODEL), lambda i: (i, 0))],
            core_axis_name=("core", "subcore"),
            dimension_semantics=(pltpu.PARALLEL,),
        )(i_hbm, o_hbm)

    return run(lut_lin, idx2d)



S_BLOCK = 8
Q_BLOCK = 256


def _out_transpose(g3):
    s, q, _ = g3.shape
    b = 2 * q

    def body(x_ref, o_ref):
        for k in range(S_BLOCK):
            for c in range(Q_BLOCK // 64):
                t = x_ref[k, 64 * c : 64 * (c + 1), :]
                o_ref[k, :, 128 * c : 128 * c + 64] = t[:, :D_MODEL].T
                o_ref[k, :, 128 * c + 64 : 128 * (c + 1)] = t[:, D_MODEL:].T

    return pl.pallas_call(
        body,
        grid=(s // S_BLOCK, q // Q_BLOCK),
        in_specs=[
            pl.BlockSpec((S_BLOCK, Q_BLOCK, 128), lambda i, j: (i, j, 0))
        ],
        out_specs=pl.BlockSpec(
            (S_BLOCK, D_MODEL, 2 * Q_BLOCK), lambda i, j: (i, 0, j)
        ),
        out_shape=jax.ShapeDtypeStruct((s, D_MODEL, b), jnp.float32),
    )(g3)


def kernel(x, lut):
    b, s = x.shape
    n = b * s
    packed = _pack_scale_lut(lut.T)
    lut_lin = packed.reshape(2 * PACK_ROWS, D_MODEL)
    idx = _prep_idx(jnp.transpose(x).astype(jnp.int32))
    flat = _sc_gather(lut_lin, idx.reshape(n // IDX_ROW, IDX_ROW), n)
    t2 = _out_transpose(flat.reshape(s, b // 2, 128))
    return jnp.transpose(t2, (2, 0, 1))

# --- scband reference (transcript-rebuilt; emitter-appended) ---
"""Pipeline reference for scband-embeddings-4286377361618 (READ-ONLY COPY).

The authoritative reference and input builder live on the scoring server;
editing this copy changes nothing except your own understanding.
"""

import math
import jax, jax.numpy as jnp
import numpy as np

D_MODEL = 64
VOCAB = 1000000

def setup_inputs(seed: int = 0) -> dict:
    key = jax.random.key(seed)
    k_idx, k_lut = jax.random.split(key)
    x = jax.random.randint(k_idx, (4096, 200), 0, VOCAB, dtype=jnp.int64)
    lut = jax.random.normal(k_lut, (VOCAB, D_MODEL), dtype=jnp.float32)
    return {"x": x, "lut": lut}

def reference(x, lut):
    # Embedding lookup followed by sqrt(d_model) scaling (Transformer-style)
    emb = jnp.take(lut, x, axis=0)
    return emb * math.sqrt(D_MODEL)

if __name__ == "__main__":
    import jax
    _d = setup_inputs()
    print(jax.jit(kernel)(*tuple(_d.values())))

</pallas_src>

<mosaic_0001>
#map = affine_map<(d0, d1) -> (0, 0)>
module attributes {stable_mosaic.version = 14 : i64} {
  func.func @run(%arg0: i32, %arg1: i32, %arg2: memref<1000064x64xf32, #tpu.memory_space<hbm>>, %arg3: memref<6400x128xi32, #tpu.memory_space<hbm>>, %arg4: memref<819200x64xf32, #tpu.memory_space<hbm>>, %arg5: memref<!tpu.dma_semaphore, #tpu.memory_space<semaphore_mem>>) attributes {dimension_semantics = [#tpu.dimension_semantics<core_parallel>, #tpu.dimension_semantics<subcore_parallel>], iteration_bounds = array<i64: 2, 16>, scalar_prefetch = 0 : i64, scratch_operands = 1 : i64, tpu.core_type = #tpu.core_type<sc_vector_subcore>, window_params = [{transform_indices = #map}, {transform_indices = #map}, {transform_indices = #map}]} {
    %mul3A = arith.constant 1 : i32
    %mul3A_0 = arith.muli %arg1, %mul3A : i32
    %add3A = arith.constant 0 : i32
    %add3A_1 = arith.addi %add3A, %mul3A_0 : i32
    %mul3A_2 = arith.constant 16 : i32
    %mul3A_3 = arith.muli %arg0, %mul3A_2 : i32
    %add3A_4 = arith.addi %add3A_1, %mul3A_3 : i32
    %mul3A_5 = arith.constant 50 : i32
    %mul3A_6 = arith.muli %add3A_4, %mul3A_5 : i32
    "tpu.region"() ({
      %run_scoped3A = memref.alloca() : memref<2x4x128xi32, #tpu.memory_space<vmem>>
      %run_scoped3A_7 = tpu.sem_alloc : memref<2x!tpu.dma_semaphore, #tpu.memory_space<semaphore_mem>>
      %run_scoped3A_8 = memref.alloca() : memref<2x512x64xf32, #tpu.memory_space<vmem>>
      %run_scoped3A_9 = tpu.sem_alloc : memref<2x!tpu.dma_semaphore, #tpu.memory_space<semaphore_mem>>
      %add3A_10 = arith.constant 0 : i32
      %add3A_11 = arith.addi %add3A_10, %mul3A_6 : i32
      %select_n3A = arith.constant true
      %select_n3A_12 = arith.constant 0 : i32
      %select_n3A_13 = arith.constant -1 : i32
      %select_n3A_14 = arith.select %select_n3A, %select_n3A_13, %select_n3A_12 : i32
      %eq3A = arith.constant -1 : i32
      %eq3A_15 = arith.cmpi eq, %select_n3A_14, %eq3A : i32
      %select_n3A_16 = arith.constant 49 : i32
      %select_n3A_17 = arith.select %eq3A_15, %select_n3A_16, %select_n3A_14 : i32
      %add3A_18 = arith.addi %select_n3A_17, %mul3A_6 : i32
      %select_n3A_19 = arith.constant true
      %select_n3A_20 = arith.constant 0 : i32
      %select_n3A_21 = arith.constant 1 : i32
      %select_n3A_22 = arith.select %select_n3A_19, %select_n3A_21, %select_n3A_20 : i32
      %eq3A_23 = arith.constant 50 : i32
      %eq3A_24 = arith.cmpi eq, %select_n3A_22, %eq3A_23 : i32
      %select_n3A_25 = arith.constant 0 : i32
      %select_n3A_26 = arith.select %eq3A_24, %select_n3A_25, %select_n3A_22 : i32
      %add3A_27 = arith.addi %select_n3A_26, %mul3A_6 : i32
      %add3A_28 = arith.constant 1 : i32
      %add3A_29 = arith.addi %select_n3A_26, %add3A_28 : i32
      %select_n3A_30 = arith.constant true
      %select_n3A_31 = arith.select %select_n3A_30, %add3A_29, %select_n3A_26 : i32
      %eq3A_32 = arith.constant 50 : i32
      %eq3A_33 = arith.cmpi eq, %select_n3A_31, %eq3A_32 : i32
      %select_n3A_34 = arith.constant 0 : i32
      %select_n3A_35 = arith.select %eq3A_33, %select_n3A_34, %select_n3A_31 : i32
      %add3A_36 = arith.addi %select_n3A_35, %mul3A_6 : i32
      "tpu.trace_start"() <{level = 10 : i32, message = "ep_initialize_0"}> : () -> ()
      %rem3A = arith.constant 0 : i32
      %rem3A_37 = arith.constant 2 : i32
      %rem3A_38 = arith.remui %rem3A, %rem3A_37 : i32
      %mul3A_39 = arith.constant 4 : i32
      %mul3A_40 = arith.muli %mul3A_39, %add3A_11 : i32
      %dma_start3A = arith.constant 0 : i32
      %dma_start3A_41 = arith.constant 0 : i32
      %dma_start3A_42 = tpu.memref_slice %run_scoped3A[%rem3A_38, %dma_start3A, %dma_start3A_41] : memref<2x4x128xi32, #tpu.memory_space<vmem>> -> memref<1x4x128xi32, #tpu.memory_space<vmem>>
      %dma_start3A_43 = tpu.memref_squeeze %dma_start3A_42 : memref<1x4x128xi32, #tpu.memory_space<vmem>> -> memref<4x128xi32, #tpu.memory_space<vmem>>
      %dma_start3A_44 = arith.constant 0 : i32
      %dma_start3A_45 = tpu.memref_slice %arg3[%mul3A_40, %dma_start3A_44] : memref<6400x128xi32, #tpu.memory_space<hbm>> -> memref<4x128xi32, #tpu.memory_space<hbm>>
      %dma_start3A_46 = tpu.memref_slice %run_scoped3A_7[%rem3A_38] : memref<2x!tpu.dma_semaphore, #tpu.memory_space<semaphore_mem>> -> memref<1x!tpu.dma_semaphore, #tpu.memory_space<semaphore_mem>>
      %dma_start3A_47 = tpu.memref_squeeze %dma_start3A_46 : memref<1x!tpu.dma_semaphore, #tpu.memory_space<semaphore_mem>> -> memref<!tpu.dma_semaphore, #tpu.memory_space<semaphore_mem>>
      %dma_start3A_48 = arith.constant 0 : i32
      %dma_start3A_49 = arith.constant 0 : i32
      %dma_start3A_50 = tpu.memref_slice %run_scoped3A[%rem3A_38, %dma_start3A_48, %dma_start3A_49] : memref<2x4x128xi32, #tpu.memory_space<vmem>> -> memref<1x4x128xi32, #tpu.memory_space<vmem>>
      %dma_start3A_51 = tpu.memref_squeeze %dma_start3A_50 : memref<1x4x128xi32, #tpu.memory_space<vmem>> -> memref<4x128xi32, #tpu.memory_space<vmem>>
      %dma_start3A_52 = arith.constant 0 : i32
      %dma_start3A_53 = tpu.memref_slice %arg3[%mul3A_40, %dma_start3A_52] : memref<6400x128xi32, #tpu.memory_space<hbm>> -> memref<4x128xi32, #tpu.memory_space<hbm>>
      tpu.enqueue_dma source(%dma_start3A_53 : memref<4x128xi32, #tpu.memory_space<hbm>>) target(%dma_start3A_51 : memref<4x128xi32, #tpu.memory_space<vmem>>) target_semaphore(%dma_start3A_47 : memref<!tpu.dma_semaphore, #tpu.memory_space<semaphore_mem>>)
      %add3A_54 = arith.constant 0 : i32
      %add3A_55 = arith.constant 1 : i32
      %add3A_56 = arith.addi %add3A_54, %add3A_55 : i32
      %select_n3A_57 = arith.constant true
      %select_n3A_58 = arith.constant 0 : i32
      %select_n3A_59 = arith.select %select_n3A_57, %add3A_56, %select_n3A_58 : i32
      "tpu.trace_stop"() : () -> ()
      %scan3A = arith.constant 0 : i32
      %scan3A_60 = arith.constant 0 : i32
      %scan3A_61 = arith.constant 0 : i32
      %scan3A_62 = arith.constant 0 : i32
      %scan3A_63 = arith.constant 0 : i32
      %scan3A_64 = arith.constant 50 : i32
      %scan3A_65 = arith.addi %scan3A_63, %scan3A_64 : i32
      %scan3A_66 = arith.constant 1 : i32
      %scan3A_67:5 = scf.for %scan3A_121 = %scan3A_63 to %scan3A_65 step %scan3A_66 iter_args(%scan3A_122 = %select_n3A_59, %scan3A_123 = %scan3A, %scan3A_124 = %scan3A_60, %scan3A_125 = %scan3A_61, %scan3A_126 = %scan3A_62) -> (i32, i32, i32, i32, i32)  : i32 {
        %eq3A_127 = arith.constant 0 : i32
        %eq3A_128 = arith.cmpi eq, %scan3A_121, %eq3A_127 : i32
        %eq3A_129 = arith.constant 49 : i32
        %eq3A_130 = arith.cmpi eq, %scan3A_121, %eq3A_129 : i32
        %add3A_131 = arith.addi %scan3A_126, %mul3A_6 : i32
        %sub3A_132 = arith.constant 1 : i32
        %sub3A_133 = arith.subi %scan3A_126, %sub3A_132 : i32
        %select_n3A_134 = arith.constant true
        %select_n3A_135 = arith.select %select_n3A_134, %sub3A_133, %scan3A_126 : i32
        %eq3A_136 = arith.constant -1 : i32
        %eq3A_137 = arith.cmpi eq, %select_n3A_135, %eq3A_136 : i32
        %select_n3A_138 = arith.constant 49 : i32
        %select_n3A_139 = arith.select %eq3A_137, %select_n3A_138, %select_n3A_135 : i32
        %add3A_140 = arith.addi %select_n3A_139, %mul3A_6 : i32
        %add3A_141 = arith.constant 1 : i32
        %add3A_142 = arith.addi %scan3A_126, %add3A_141 : i32
        %select_n3A_143 = arith.constant true
        %select_n3A_144 = arith.select %select_n3A_143, %add3A_142, %scan3A_126 : i32
        %eq3A_145 = arith.constant 50 : i32
        %eq3A_146 = arith.cmpi eq, %select_n3A_144, %eq3A_145 : i32
        %select_n3A_147 = arith.constant 0 : i32
        %select_n3A_148 = arith.select %eq3A_146, %select_n3A_147, %select_n3A_144 : i32
        %add3A_149 = arith.addi %select_n3A_148, %mul3A_6 : i32
        %add3A_150 = arith.constant 1 : i32
        %add3A_151 = arith.addi %select_n3A_148, %add3A_150 : i32
        %select_n3A_152 = arith.constant true
        %select_n3A_153 = arith.select %select_n3A_152, %add3A_151, %select_n3A_148 : i32
        %eq3A_154 = arith.constant 50 : i32
        %eq3A_155 = arith.cmpi eq, %select_n3A_153, %eq3A_154 : i32
        %select_n3A_156 = arith.constant 0 : i32
        %select_n3A_157 = arith.select %eq3A_155, %select_n3A_156, %select_n3A_153 : i32
        %add3A_158 = arith.addi %select_n3A_157, %mul3A_6 : i32
        %ne3A = arith.cmpi ne, %add3A_131, %add3A_149 : i32
        %or3A = arith.constant false
        %or3A_159 = arith.ori %or3A, %ne3A : i1
        %or3A_160 = arith.constant false
        %or3A_161 = arith.ori %or3A_159, %or3A_160 : i1
        %ge3A = arith.constant 49 : i32
        %ge3A_162 = arith.cmpi sge, %scan3A_121, %ge3A : i32
        %not3A = arith.constant true
        %not3A_163 = arith.xori %ge3A_162, %not3A : i1
        %and3A = arith.andi %or3A_161, %not3A_163 : i1
        %convert_element_type3A = arith.extui %and3A : i1 to i32
        %cond3A = arith.constant 0 : i32
        %cond3A_164 = arith.cmpi ne, %convert_element_type3A, %cond3A : i32
        scf.if %cond3A_164 {
          "tpu.trace_start"() <{level = 10 : i32, message = "ep_copy_in"}> : () -> ()
          %rem3A_417 = arith.constant 2 : i32
          %rem3A_418 = arith.remui %scan3A_122, %rem3A_417 : i32
          %mul3A_419 = arith.constant 4 : i32
          %mul3A_420 = arith.muli %mul3A_419, %add3A_149 : i32
          %dma_start3A_421 = arith.constant 0 : i32
          %dma_start3A_422 = arith.constant 0 : i32
          %dma_start3A_423 = tpu.memref_slice %run_scoped3A[%rem3A_418, %dma_start3A_421, %dma_start3A_422] : memref<2x4x128xi32, #tpu.memory_space<vmem>> -> memref<1x4x128xi32, #tpu.memory_space<vmem>>
          %dma_start3A_424 = tpu.memref_squeeze %dma_start3A_423 : memref<1x4x128xi32, #tpu.memory_space<vmem>> -> memref<4x128xi32, #tpu.memory_space<vmem>>
          %dma_start3A_425 = arith.constant 0 : i32
          %dma_start3A_426 = tpu.memref_slice %arg3[%mul3A_420, %dma_start3A_425] : memref<6400x128xi32, #tpu.memory_space<hbm>> -> memref<4x128xi32, #tpu.memory_space<hbm>>
          %dma_start3A_427 = tpu.memref_slice %run_scoped3A_7[%rem3A_418] : memref<2x!tpu.dma_semaphore, #tpu.memory_space<semaphore_mem>> -> memref<1x!tpu.dma_semaphore, #tpu.memory_space<semaphore_mem>>
          %dma_start3A_428 = tpu.memref_squeeze %dma_start3A_427 : memref<1x!tpu.dma_semaphore, #tpu.memory_space<semaphore_mem>> -> memref<!tpu.dma_semaphore, #tpu.memory_space<semaphore_mem>>
          %dma_start3A_429 = arith.constant 0 : i32
          %dma_start3A_430 = arith.constant 0 : i32
          %dma_start3A_431 = tpu.memref_slice %run_scoped3A[%rem3A_418, %dma_start3A_429, %dma_start3A_430] : memref<2x4x128xi32, #tpu.memory_space<vmem>> -> memref<1x4x128xi32, #tpu.memory_space<vmem>>
          %dma_start3A_432 = tpu.memref_squeeze %dma_start3A_431 : memref<1x4x128xi32, #tpu.memory_space<vmem>> -> memref<4x128xi32, #tpu.memory_space<vmem>>
          %dma_start3A_433 = arith.constant 0 : i32
          %dma_start3A_434 = tpu.memref_slice %arg3[%mul3A_420, %dma_start3A_433] : memref<6400x128xi32, #tpu.memory_space<hbm>> -> memref<4x128xi32, #tpu.memory_space<hbm>>
          tpu.enqueue_dma source(%dma_start3A_434 : memref<4x128xi32, #tpu.memory_space<hbm>>) target(%dma_start3A_432 : memref<4x128xi32, #tpu.memory_space<vmem>>) target_semaphore(%dma_start3A_428 : memref<!tpu.dma_semaphore, #tpu.memory_space<semaphore_mem>>)
          "tpu.trace_stop"() : () -> ()
        } else {
        }
        %and3A_165 = arith.constant true
        %and3A_166 = arith.andi %and3A, %and3A_165 : i1
        %add3A_167 = arith.constant 1 : i32
        %add3A_168 = arith.addi %scan3A_122, %add3A_167 : i32
        %select_n3A_169 = arith.select %and3A_166, %add3A_168, %scan3A_122 : i32
        %ne3A_170 = arith.cmpi ne, %add3A_131, %add3A_149 : i32
        %or3A_171 = arith.constant false
        %or3A_172 = arith.ori %or3A_171, %ne3A_170 : i1
        %or3A_173 = arith.constant false
        %or3A_174 = arith.ori %or3A_172, %or3A_173 : i1
        %ge3A_175 = arith.constant 49 : i32
        %ge3A_176 = arith.cmpi sge, %scan3A_121, %ge3A_175 : i32
        %not3A_177 = arith.constant true
        %not3A_178 = arith.xori %ge3A_176, %not3A_177 : i1
        %and3A_179 = arith.andi %or3A_174, %not3A_178 : i1
        %ne3A_180 = arith.cmpi ne, %add3A_131, %add3A_140 : i32
        %or3A_181 = arith.constant false
        %or3A_182 = arith.ori %or3A_181, %ne3A_180 : i1
        %or3A_183 = arith.constant false
        %or3A_184 = arith.ori %or3A_182, %or3A_183 : i1
        %or3A_185 = arith.ori %or3A_184, %eq3A_128 : i1
        %convert_element_type3A_186 = arith.extui %or3A_185 : i1 to i32
        %cond3A_187 = arith.constant 0 : i32
        %cond3A_188 = arith.cmpi ne, %convert_element_type3A_186, %cond3A_187 : i32
        scf.if %cond3A_188 {
          "tpu.trace_start"() <{level = 10 : i32, message = "ep_wait_in"}> : () -> ()
          %mul3A_417 = arith.constant 4 : i32
          %mul3A_418 = arith.muli %mul3A_417, %add3A_131 : i32
          %rem3A_419 = arith.constant 2 : i32
          %rem3A_420 = arith.remui %scan3A_123, %rem3A_419 : i32
          %dma_wait3A_421 = arith.constant 0 : i32
          %dma_wait3A_422 = arith.constant 0 : i32
          %dma_wait3A_423 = tpu.memref_slice %run_scoped3A[%rem3A_420, %dma_wait3A_421, %dma_wait3A_422] : memref<2x4x128xi32, #tpu.memory_space<vmem>> -> memref<1x4x128xi32, #tpu.memory_space<vmem>>
          %dma_wait3A_424 = tpu.memref_squeeze %dma_wait3A_423 : memref<1x4x128xi32, #tpu.memory_space<vmem>> -> memref<4x128xi32, #tpu.memory_space<vmem>>
          %dma_wait3A_425 = arith.constant 0 : i32
          %dma_wait3A_426 = tpu.memref_slice %arg3[%mul3A_418, %dma_wait3A_425] : memref<6400x128xi32, #tpu.memory_space<hbm>> -> memref<4x128xi32, #tpu.memory_space<hbm>>
          %dma_wait3A_427 = tpu.memref_slice %run_scoped3A_7[%rem3A_420] : memref<2x!tpu.dma_semaphore, #tpu.memory_space<semaphore_mem>> -> memref<1x!tpu.dma_semaphore, #tpu.memory_space<semaphore_mem>>
          %dma_wait3A_428 = tpu.memref_squeeze %dma_wait3A_427 : memref<1x!tpu.dma_semaphore, #tpu.memory_space<semaphore_mem>> -> memref<!tpu.dma_semaphore, #tpu.memory_space<semaphore_mem>>
          %dma_wait3A_429 = arith.constant 0 : i32
          %dma_wait3A_430 = arith.constant 0 : i32
          %dma_wait3A_431 = tpu.memref_slice %run_scoped3A[%rem3A_420, %dma_wait3A_429, %dma_wait3A_430] : memref<2x4x128xi32, #tpu.memory_space<vmem>> -> memref<1x4x128xi32, #tpu.memory_space<vmem>>
          %dma_wait3A_432 = tpu.memref_squeeze %dma_wait3A_431 : memref<1x4x128xi32, #tpu.memory_space<vmem>> -> memref<4x128xi32, #tpu.memory_space<vmem>>
          %dma_wait3A_433 = arith.constant 0 : i32
          %dma_wait3A_434 = tpu.memref_slice %arg3[%mul3A_418, %dma_wait3A_433] : memref<6400x128xi32, #tpu.memory_space<hbm>> -> memref<4x128xi32, #tpu.memory_space<hbm>>
          tpu.wait_dma2 semaphore(%dma_wait3A_428 : memref<!tpu.dma_semaphore, #tpu.memory_space<semaphore_mem>>) src(%dma_wait3A_434 : memref<4x128xi32, #tpu.memory_space<hbm>>) dst(%dma_wait3A_432 : memref<4x128xi32, #tpu.memory_space<vmem>>)
          "tpu.trace_stop"() : () -> ()
        } else {
        }
        %ne3A_189 = arith.cmpi ne, %add3A_131, %add3A_140 : i32
        %or3A_190 = arith.constant false
        %or3A_191 = arith.ori %or3A_190, %ne3A_189 : i1
        %or3A_192 = arith.constant false
        %or3A_193 = arith.ori %or3A_191, %or3A_192 : i1
        %or3A_194 = arith.ori %or3A_193, %eq3A_128 : i1
        %convert_element_type3A_195 = arith.extui %or3A_194 : i1 to i32
        %cond3A_196 = arith.constant 0 : i32
        %cond3A_197 = arith.cmpi ne, %convert_element_type3A_195, %cond3A_196 : i32
        scf.if %cond3A_197 {
        } else {
        }
        %rem3A_198 = arith.constant 2 : i32
        %rem3A_199 = arith.remui %scan3A_123, %rem3A_198 : i32
        %rem3A_200 = arith.constant 2 : i32
        %rem3A_201 = arith.remui %scan3A_124, %rem3A_200 : i32
        %dma_start3A_202 = arith.constant 0 : i32
        "tpu.trace_start"() <{level = 10 : i32, message = "ep_run_kernel"}> : () -> ()
        %dma_start3A_203 = arith.constant 0 : i32
        %dma_start3A_204 = arith.constant 0 : i32
        %dma_start3A_205 = tpu.memref_slice %run_scoped3A_8[%rem3A_201, %dma_start3A_203, %dma_start3A_204] : memref<2x512x64xf32, #tpu.memory_space<vmem>> -> memref<1x512x64xf32, #tpu.memory_space<vmem>>
        %dma_start3A_206 = tpu.memref_squeeze %dma_start3A_205 : memref<1x512x64xf32, #tpu.memory_space<vmem>> -> memref<512x64xf32, #tpu.memory_space<vmem>>
        %dma_start3A_207 = arith.constant 0 : i32
        %dma_start3A_208 = arith.constant 0 : i32
        %dma_start3A_209 = tpu.memref_slice %dma_start3A_206[%dma_start3A_207, %dma_start3A_208] : memref<512x64xf32, #tpu.memory_space<vmem>> -> memref<128x64xf32, #tpu.memory_space<vmem>>
        %dma_start3A_210 = arith.constant 0 : i32
        %dma_start3A_211 = arith.constant 0 : i32
        %dma_start3A_212 = tpu.memref_slice %run_scoped3A[%rem3A_199, %dma_start3A_210, %dma_start3A_211] : memref<2x4x128xi32, #tpu.memory_space<vmem>> -> memref<1x4x128xi32, #tpu.memory_space<vmem>>
        %dma_start3A_213 = tpu.memref_squeeze %dma_start3A_212 : memref<1x4x128xi32, #tpu.memory_space<vmem>> -> memref<4x128xi32, #tpu.memory_space<vmem>>
        %dma_start3A_214 = arith.constant 0 : i32
        %dma_start3A_215 = tpu.memref_slice %dma_start3A_213[%dma_start3A_202, %dma_start3A_214] : memref<4x128xi32, #tpu.memory_space<vmem>> -> memref<1x128xi32, #tpu.memory_space<vmem>>
        %dma_start3A_216 = tpu.memref_squeeze %dma_start3A_215 : memref<1x128xi32, #tpu.memory_space<vmem>> -> memref<128xi32, #tpu.memory_space<vmem>>
        %dma_start3A_217 = arith.constant 0 : i32
        %dma_start3A_218 = arith.constant 0 : i32
        %dma_start3A_219 = tpu.memref_slice %arg2[%dma_start3A_217, %dma_start3A_218] : memref<1000064x64xf32, #tpu.memory_space<hbm>> -> memref<1000064x64xf32, #tpu.memory_space<hbm>>
        tpu.enqueue_indirect_dma source(%dma_start3A_219 : memref<1000064x64xf32, #tpu.memory_space<hbm>>) target(%dma_start3A_209 : memref<128x64xf32, #tpu.memory_space<vmem>>) offsets(%dma_start3A_216 : memref<128xi32, #tpu.memory_space<vmem>>) semaphore(%arg5 : memref<!tpu.dma_semaphore, #tpu.memory_space<semaphore_mem>>)
        %dma_start3A_220 = arith.constant 1 : i32
        %dma_start3A_221 = arith.constant 0 : i32
        %dma_start3A_222 = arith.constant 0 : i32
        %dma_start3A_223 = tpu.memref_slice %run_scoped3A_8[%rem3A_201, %dma_start3A_221, %dma_start3A_222] : memref<2x512x64xf32, #tpu.memory_space<vmem>> -> memref<1x512x64xf32, #tpu.memory_space<vmem>>
        %dma_start3A_224 = tpu.memref_squeeze %dma_start3A_223 : memref<1x512x64xf32, #tpu.memory_space<vmem>> -> memref<512x64xf32, #tpu.memory_space<vmem>>
        %dma_start3A_225 = arith.constant 128 : i32
        %dma_start3A_226 = arith.constant 0 : i32
        %dma_start3A_227 = tpu.memref_slice %dma_start3A_224[%dma_start3A_225, %dma_start3A_226] : memref<512x64xf32, #tpu.memory_space<vmem>> -> memref<128x64xf32, #tpu.memory_space<vmem>>
        %dma_start3A_228 = arith.constant 0 : i32
        %dma_start3A_229 = arith.constant 0 : i32
        %dma_start3A_230 = tpu.memref_slice %run_scoped3A[%rem3A_199, %dma_start3A_228, %dma_start3A_229] : memref<2x4x128xi32, #tpu.memory_space<vmem>> -> memref<1x4x128xi32, #tpu.memory_space<vmem>>
        %dma_start3A_231 = tpu.memref_squeeze %dma_start3A_230 : memref<1x4x128xi32, #tpu.memory_space<vmem>> -> memref<4x128xi32, #tpu.memory_space<vmem>>
        %dma_start3A_232 = arith.constant 0 : i32
        %dma_start3A_233 = tpu.memref_slice %dma_start3A_231[%dma_start3A_220, %dma_start3A_232] : memref<4x128xi32, #tpu.memory_space<vmem>> -> memref<1x128xi32, #tpu.memory_space<vmem>>
        %dma_start3A_234 = tpu.memref_squeeze %dma_start3A_233 : memref<1x128xi32, #tpu.memory_space<vmem>> -> memref<128xi32, #tpu.memory_space<vmem>>
        %dma_start3A_235 = arith.constant 0 : i32
        %dma_start3A_236 = arith.constant 0 : i32
        %dma_start3A_237 = tpu.memref_slice %arg2[%dma_start3A_235, %dma_start3A_236] : memref<1000064x64xf32, #tpu.memory_space<hbm>> -> memref<1000064x64xf32, #tpu.memory_space<hbm>>
        tpu.enqueue_indirect_dma source(%dma_start3A_237 : memref<1000064x64xf32, #tpu.memory_space<hbm>>) target(%dma_start3A_227 : memref<128x64xf32, #tpu.memory_space<vmem>>) offsets(%dma_start3A_234 : memref<128xi32, #tpu.memory_space<vmem>>) semaphore(%arg5 : memref<!tpu.dma_semaphore, #tpu.memory_space<semaphore_mem>>)
        %dma_start3A_238 = arith.constant 2 : i32
        %dma_start3A_239 = arith.constant 0 : i32
        %dma_start3A_240 = arith.constant 0 : i32
        %dma_start3A_241 = tpu.memref_slice %run_scoped3A_8[%rem3A_201, %dma_start3A_239, %dma_start3A_240] : memref<2x512x64xf32, #tpu.memory_space<vmem>> -> memref<1x512x64xf32, #tpu.memory_space<vmem>>
        %dma_start3A_242 = tpu.memref_squeeze %dma_start3A_241 : memref<1x512x64xf32, #tpu.memory_space<vmem>> -> memref<512x64xf32, #tpu.memory_space<vmem>>
        %dma_start3A_243 = arith.constant 256 : i32
        %dma_start3A_244 = arith.constant 0 : i32
        %dma_start3A_245 = tpu.memref_slice %dma_start3A_242[%dma_start3A_243, %dma_start3A_244] : memref<512x64xf32, #tpu.memory_space<vmem>> -> memref<128x64xf32, #tpu.memory_space<vmem>>
        %dma_start3A_246 = arith.constant 0 : i32
        %dma_start3A_247 = arith.constant 0 : i32
        %dma_start3A_248 = tpu.memref_slice %run_scoped3A[%rem3A_199, %dma_start3A_246, %dma_start3A_247] : memref<2x4x128xi32, #tpu.memory_space<vmem>> -> memref<1x4x128xi32, #tpu.memory_space<vmem>>
        %dma_start3A_249 = tpu.memref_squeeze %dma_start3A_248 : memref<1x4x128xi32, #tpu.memory_space<vmem>> -> memref<4x128xi32, #tpu.memory_space<vmem>>
        %dma_start3A_250 = arith.constant 0 : i32
        %dma_start3A_251 = tpu.memref_slice %dma_start3A_249[%dma_start3A_238, %dma_start3A_250] : memref<4x128xi32, #tpu.memory_space<vmem>> -> memref<1x128xi32, #tpu.memory_space<vmem>>
        %dma_start3A_252 = tpu.memref_squeeze %dma_start3A_251 : memref<1x128xi32, #tpu.memory_space<vmem>> -> memref<128xi32, #tpu.memory_space<vmem>>
        %dma_start3A_253 = arith.constant 0 : i32
        %dma_start3A_254 = arith.constant 0 : i32
        %dma_start3A_255 = tpu.memref_slice %arg2[%dma_start3A_253, %dma_start3A_254] : memref<1000064x64xf32, #tpu.memory_space<hbm>> -> memref<1000064x64xf32, #tpu.memory_space<hbm>>
        tpu.enqueue_indirect_dma source(%dma_start3A_255 : memref<1000064x64xf32, #tpu.memory_space<hbm>>) target(%dma_start3A_245 : memref<128x64xf32, #tpu.memory_space<vmem>>) offsets(%dma_start3A_252 : memref<128xi32, #tpu.memory_space<vmem>>) semaphore(%arg5 : memref<!tpu.dma_semaphore, #tpu.memory_space<semaphore_mem>>)
        %dma_start3A_256 = arith.constant 3 : i32
        %dma_start3A_257 = arith.constant 0 : i32
        %dma_start3A_258 = arith.constant 0 : i32
        %dma_start3A_259 = tpu.memref_slice %run_scoped3A_8[%rem3A_201, %dma_start3A_257, %dma_start3A_258] : memref<2x512x64xf32, #tpu.memory_space<vmem>> -> memref<1x512x64xf32, #tpu.memory_space<vmem>>
        %dma_start3A_260 = tpu.memref_squeeze %dma_start3A_259 : memref<1x512x64xf32, #tpu.memory_space<vmem>> -> memref<512x64xf32, #tpu.memory_space<vmem>>
        %dma_start3A_261 = arith.constant 384 : i32
        %dma_start3A_262 = arith.constant 0 : i32
        %dma_start3A_263 = tpu.memref_slice %dma_start3A_260[%dma_start3A_261, %dma_start3A_262] : memref<512x64xf32, #tpu.memory_space<vmem>> -> memref<128x64xf32, #tpu.memory_space<vmem>>
        %dma_start3A_264 = arith.constant 0 : i32
        %dma_start3A_265 = arith.constant 0 : i32
        %dma_start3A_266 = tpu.memref_slice %run_scoped3A[%rem3A_199, %dma_start3A_264, %dma_start3A_265] : memref<2x4x128xi32, #tpu.memory_space<vmem>> -> memref<1x4x128xi32, #tpu.memory_space<vmem>>
        %dma_start3A_267 = tpu.memref_squeeze %dma_start3A_266 : memref<1x4x128xi32, #tpu.memory_space<vmem>> -> memref<4x128xi32, #tpu.memory_space<vmem>>
        %dma_start3A_268 = arith.constant 0 : i32
        %dma_start3A_269 = tpu.memref_slice %dma_start3A_267[%dma_start3A_256, %dma_start3A_268] : memref<4x128xi32, #tpu.memory_space<vmem>> -> memref<1x128xi32, #tpu.memory_space<vmem>>
        %dma_start3A_270 = tpu.memref_squeeze %dma_start3A_269 : memref<1x128xi32, #tpu.memory_space<vmem>> -> memref<128xi32, #tpu.memory_space<vmem>>
        %dma_start3A_271 = arith.constant 0 : i32
        %dma_start3A_272 = arith.constant 0 : i32
        %dma_start3A_273 = tpu.memref_slice %arg2[%dma_start3A_271, %dma_start3A_272] : memref<1000064x64xf32, #tpu.memory_space<hbm>> -> memref<1000064x64xf32, #tpu.memory_space<hbm>>
        tpu.enqueue_indirect_dma source(%dma_start3A_273 : memref<1000064x64xf32, #tpu.memory_space<hbm>>) target(%dma_start3A_263 : memref<128x64xf32, #tpu.memory_space<vmem>>) offsets(%dma_start3A_270 : memref<128xi32, #tpu.memory_space<vmem>>) semaphore(%arg5 : memref<!tpu.dma_semaphore, #tpu.memory_space<semaphore_mem>>)
        %dma_wait3A_274 = arith.constant 0 : i32
        %dma_wait3A_275 = arith.constant 0 : i32
        %dma_wait3A_276 = arith.constant 0 : i32
        %dma_wait3A_277 = tpu.memref_slice %run_scoped3A_8[%rem3A_201, %dma_wait3A_275, %dma_wait3A_276] : memref<2x512x64xf32, #tpu.memory_space<vmem>> -> memref<1x512x64xf32, #tpu.memory_space<vmem>>
        %dma_wait3A_278 = tpu.memref_squeeze %dma_wait3A_277 : memref<1x512x64xf32, #tpu.memory_space<vmem>> -> memref<512x64xf32, #tpu.memory_space<vmem>>
        %dma_wait3A_279 = arith.constant 0 : i32
        %dma_wait3A_280 = arith.constant 0 : i32
        %dma_wait3A_281 = tpu.memref_slice %dma_wait3A_278[%dma_wait3A_279, %dma_wait3A_280] : memref<512x64xf32, #tpu.memory_space<vmem>> -> memref<128x64xf32, #tpu.memory_space<vmem>>
        %dma_wait3A_282 = arith.constant 0 : i32
        %dma_wait3A_283 = arith.constant 0 : i32
        %dma_wait3A_284 = tpu.memref_slice %run_scoped3A[%rem3A_199, %dma_wait3A_282, %dma_wait3A_283] : memref<2x4x128xi32, #tpu.memory_space<vmem>> -> memref<1x4x128xi32, #tpu.memory_space<vmem>>
        %dma_wait3A_285 = tpu.memref_squeeze %dma_wait3A_284 : memref<1x4x128xi32, #tpu.memory_space<vmem>> -> memref<4x128xi32, #tpu.memory_space<vmem>>
        %dma_wait3A_286 = arith.constant 0 : i32
        %dma_wait3A_287 = tpu.memref_slice %dma_wait3A_285[%dma_wait3A_274, %dma_wait3A_286] : memref<4x128xi32, #tpu.memory_space<vmem>> -> memref<1x128xi32, #tpu.memory_space<vmem>>
        %dma_wait3A_288 = tpu.memref_squeeze %dma_wait3A_287 : memref<1x128xi32, #tpu.memory_space<vmem>> -> memref<128xi32, #tpu.memory_space<vmem>>
        %dma_wait3A_289 = arith.constant 0 : i32
        %dma_wait3A_290 = arith.constant 0 : i32
        %dma_wait3A_291 = tpu.memref_slice %arg2[%dma_wait3A_289, %dma_wait3A_290] : memref<1000064x64xf32, #tpu.memory_space<hbm>> -> memref<1000064x64xf32, #tpu.memory_space<hbm>>
        tpu.wait_indirect_dma semaphore(%arg5 : memref<!tpu.dma_semaphore, #tpu.memory_space<semaphore_mem>>) src(%dma_wait3A_291 : memref<1000064x64xf32, #tpu.memory_space<hbm>>) dst(%dma_wait3A_281 : memref<128x64xf32, #tpu.memory_space<vmem>>)
        %dma_wait3A_292 = arith.constant 1 : i32
        %dma_wait3A_293 = arith.constant 0 : i32
        %dma_wait3A_294 = arith.constant 0 : i32
        %dma_wait3A_295 = tpu.memref_slice %run_scoped3A_8[%rem3A_201, %dma_wait3A_293, %dma_wait3A_294] : memref<2x512x64xf32, #tpu.memory_space<vmem>> -> memref<1x512x64xf32, #tpu.memory_space<vmem>>
        %dma_wait3A_296 = tpu.memref_squeeze %dma_wait3A_295 : memref<1x512x64xf32, #tpu.memory_space<vmem>> -> memref<512x64xf32, #tpu.memory_space<vmem>>
        %dma_wait3A_297 = arith.constant 128 : i32
        %dma_wait3A_298 = arith.constant 0 : i32
        %dma_wait3A_299 = tpu.memref_slice %dma_wait3A_296[%dma_wait3A_297, %dma_wait3A_298] : memref<512x64xf32, #tpu.memory_space<vmem>> -> memref<128x64xf32, #tpu.memory_space<vmem>>
        %dma_wait3A_300 = arith.constant 0 : i32
        %dma_wait3A_301 = arith.constant 0 : i32
        %dma_wait3A_302 = tpu.memref_slice %run_scoped3A[%rem3A_199, %dma_wait3A_300, %dma_wait3A_301] : memref<2x4x128xi32, #tpu.memory_space<vmem>> -> memref<1x4x128xi32, #tpu.memory_space<vmem>>
        %dma_wait3A_303 = tpu.memref_squeeze %dma_wait3A_302 : memref<1x4x128xi32, #tpu.memory_space<vmem>> -> memref<4x128xi32, #tpu.memory_space<vmem>>
        %dma_wait3A_304 = arith.constant 0 : i32
        %dma_wait3A_305 = tpu.memref_slice %dma_wait3A_303[%dma_wait3A_292, %dma_wait3A_304] : memref<4x128xi32, #tpu.memory_space<vmem>> -> memref<1x128xi32, #tpu.memory_space<vmem>>
        %dma_wait3A_306 = tpu.memref_squeeze %dma_wait3A_305 : memref<1x128xi32, #tpu.memory_space<vmem>> -> memref<128xi32, #tpu.memory_space<vmem>>
        %dma_wait3A_307 = arith.constant 0 : i32
        %dma_wait3A_308 = arith.constant 0 : i32
        %dma_wait3A_309 = tpu.memref_slice %arg2[%dma_wait3A_307, %dma_wait3A_308] : memref<1000064x64xf32, #tpu.memory_space<hbm>> -> memref<1000064x64xf32, #tpu.memory_space<hbm>>
        tpu.wait_indirect_dma semaphore(%arg5 : memref<!tpu.dma_semaphore, #tpu.memory_space<semaphore_mem>>) src(%dma_wait3A_309 : memref<1000064x64xf32, #tpu.memory_space<hbm>>) dst(%dma_wait3A_299 : memref<128x64xf32, #tpu.memory_space<vmem>>)
        %dma_wait3A_310 = arith.constant 2 : i32
        %dma_wait3A_311 = arith.constant 0 : i32
        %dma_wait3A_312 = arith.constant 0 : i32
        %dma_wait3A_313 = tpu.memref_slice %run_scoped3A_8[%rem3A_201, %dma_wait3A_311, %dma_wait3A_312] : memref<2x512x64xf32, #tpu.memory_space<vmem>> -> memref<1x512x64xf32, #tpu.memory_space<vmem>>
        %dma_wait3A_314 = tpu.memref_squeeze %dma_wait3A_313 : memref<1x512x64xf32, #tpu.memory_space<vmem>> -> memref<512x64xf32, #tpu.memory_space<vmem>>
        %dma_wait3A_315 = arith.constant 256 : i32
        %dma_wait3A_316 = arith.constant 0 : i32
        %dma_wait3A_317 = tpu.memref_slice %dma_wait3A_314[%dma_wait3A_315, %dma_wait3A_316] : memref<512x64xf32, #tpu.memory_space<vmem>> -> memref<128x64xf32, #tpu.memory_space<vmem>>
        %dma_wait3A_318 = arith.constant 0 : i32
        %dma_wait3A_319 = arith.constant 0 : i32
        %dma_wait3A_320 = tpu.memref_slice %run_scoped3A[%rem3A_199, %dma_wait3A_318, %dma_wait3A_319] : memref<2x4x128xi32, #tpu.memory_space<vmem>> -> memref<1x4x128xi32, #tpu.memory_space<vmem>>
        %dma_wait3A_321 = tpu.memref_squeeze %dma_wait3A_320 : memref<1x4x128xi32, #tpu.memory_space<vmem>> -> memref<4x128xi32, #tpu.memory_space<vmem>>
        %dma_wait3A_322 = arith.constant 0 : i32
        %dma_wait3A_323 = tpu.memref_slice %dma_wait3A_321[%dma_wait3A_310, %dma_wait3A_322] : memref<4x128xi32, #tpu.memory_space<vmem>> -> memref<1x128xi32, #tpu.memory_space<vmem>>
        %dma_wait3A_324 = tpu.memref_squeeze %dma_wait3A_323 : memref<1x128xi32, #tpu.memory_space<vmem>> -> memref<128xi32, #tpu.memory_space<vmem>>
        %dma_wait3A_325 = arith.constant 0 : i32
        %dma_wait3A_326 = arith.constant 0 : i32
        %dma_wait3A_327 = tpu.memref_slice %arg2[%dma_wait3A_325, %dma_wait3A_326] : memref<1000064x64xf32, #tpu.memory_space<hbm>> -> memref<1000064x64xf32, #tpu.memory_space<hbm>>
        tpu.wait_indirect_dma semaphore(%arg5 : memref<!tpu.dma_semaphore, #tpu.memory_space<semaphore_mem>>) src(%dma_wait3A_327 : memref<1000064x64xf32, #tpu.memory_space<hbm>>) dst(%dma_wait3A_317 : memref<128x64xf32, #tpu.memory_space<vmem>>)
        %dma_wait3A_328 = arith.constant 3 : i32
        %dma_wait3A_329 = arith.constant 0 : i32
        %dma_wait3A_330 = arith.constant 0 : i32
        %dma_wait3A_331 = tpu.memref_slice %run_scoped3A_8[%rem3A_201, %dma_wait3A_329, %dma_wait3A_330] : memref<2x512x64xf32, #tpu.memory_space<vmem>> -> memref<1x512x64xf32, #tpu.memory_space<vmem>>
        %dma_wait3A_332 = tpu.memref_squeeze %dma_wait3A_331 : memref<1x512x64xf32, #tpu.memory_space<vmem>> -> memref<512x64xf32, #tpu.memory_space<vmem>>
        %dma_wait3A_333 = arith.constant 384 : i32
        %dma_wait3A_334 = arith.constant 0 : i32
        %dma_wait3A_335 = tpu.memref_slice %dma_wait3A_332[%dma_wait3A_333, %dma_wait3A_334] : memref<512x64xf32, #tpu.memory_space<vmem>> -> memref<128x64xf32, #tpu.memory_space<vmem>>
        %dma_wait3A_336 = arith.constant 0 : i32
        %dma_wait3A_337 = arith.constant 0 : i32
        %dma_wait3A_338 = tpu.memref_slice %run_scoped3A[%rem3A_199, %dma_wait3A_336, %dma_wait3A_337] : memref<2x4x128xi32, #tpu.memory_space<vmem>> -> memref<1x4x128xi32, #tpu.memory_space<vmem>>
        %dma_wait3A_339 = tpu.memref_squeeze %dma_wait3A_338 : memref<1x4x128xi32, #tpu.memory_space<vmem>> -> memref<4x128xi32, #tpu.memory_space<vmem>>
        %dma_wait3A_340 = arith.constant 0 : i32
        %dma_wait3A_341 = tpu.memref_slice %dma_wait3A_339[%dma_wait3A_328, %dma_wait3A_340] : memref<4x128xi32, #tpu.memory_space<vmem>> -> memref<1x128xi32, #tpu.memory_space<vmem>>
        %dma_wait3A_342 = tpu.memref_squeeze %dma_wait3A_341 : memref<1x128xi32, #tpu.memory_space<vmem>> -> memref<128xi32, #tpu.memory_space<vmem>>
        %dma_wait3A_343 = arith.constant 0 : i32
        %dma_wait3A_344 = arith.constant 0 : i32
        %dma_wait3A_345 = tpu.memref_slice %arg2[%dma_wait3A_343, %dma_wait3A_344] : memref<1000064x64xf32, #tpu.memory_space<hbm>> -> memref<1000064x64xf32, #tpu.memory_space<hbm>>
        tpu.wait_indirect_dma semaphore(%arg5 : memref<!tpu.dma_semaphore, #tpu.memory_space<semaphore_mem>>) src(%dma_wait3A_345 : memref<1000064x64xf32, #tpu.memory_space<hbm>>) dst(%dma_wait3A_335 : memref<128x64xf32, #tpu.memory_space<vmem>>)
        "tpu.trace_stop"() : () -> ()
        %ne3A_346 = arith.cmpi ne, %add3A_131, %add3A_149 : i32
        %or3A_347 = arith.constant false
        %or3A_348 = arith.ori %or3A_347, %ne3A_346 : i1
        %or3A_349 = arith.constant false
        %or3A_350 = arith.ori %or3A_348, %or3A_349 : i1
        %or3A_351 = arith.ori %or3A_350, %eq3A_130 : i1
        %convert_element_type3A_352 = arith.extui %or3A_351 : i1 to i32
        %cond3A_353 = arith.constant 0 : i32
        %cond3A_354 = arith.cmpi ne, %convert_element_type3A_352, %cond3A_353 : i32
        scf.if %cond3A_354 {
        } else {
        }
        %and3A_355 = arith.constant false
        %and3A_356 = arith.andi %or3A_351, %and3A_355 : i1
        %ne3A_357 = arith.cmpi ne, %add3A_131, %add3A_149 : i32
        %or3A_358 = arith.constant false
        %or3A_359 = arith.ori %or3A_358, %ne3A_357 : i1
        %or3A_360 = arith.constant false
        %or3A_361 = arith.ori %or3A_359, %or3A_360 : i1
        %or3A_362 = arith.ori %or3A_361, %eq3A_130 : i1
        %convert_element_type3A_363 = arith.extui %or3A_362 : i1 to i32
        %cond3A_364 = arith.constant 0 : i32
        %cond3A_365 = arith.cmpi ne, %convert_element_type3A_363, %cond3A_364 : i32
        scf.if %cond3A_365 {
          "tpu.trace_start"() <{level = 10 : i32, message = "ep_copy_out"}> : () -> ()
          %rem3A_417 = arith.constant 2 : i32
          %rem3A_418 = arith.remui %scan3A_124, %rem3A_417 : i32
          %mul3A_419 = arith.constant 512 : i32
          %mul3A_420 = arith.muli %mul3A_419, %add3A_131 : i32
          %dma_start3A_421 = arith.constant 0 : i32
          %dma_start3A_422 = arith.constant 0 : i32
          %dma_start3A_423 = tpu.memref_slice %run_scoped3A_8[%rem3A_418, %dma_start3A_421, %dma_start3A_422] : memref<2x512x64xf32, #tpu.memory_space<vmem>> -> memref<1x512x64xf32, #tpu.memory_space<vmem>>
          %dma_start3A_424 = tpu.memref_squeeze %dma_start3A_423 : memref<1x512x64xf32, #tpu.memory_space<vmem>> -> memref<512x64xf32, #tpu.memory_space<vmem>>
          %dma_start3A_425 = arith.constant 0 : i32
          %dma_start3A_426 = tpu.memref_slice %arg4[%mul3A_420, %dma_start3A_425] : memref<819200x64xf32, #tpu.memory_space<hbm>> -> memref<512x64xf32, #tpu.memory_space<hbm>>
          %dma_start3A_427 = tpu.memref_slice %run_scoped3A_9[%rem3A_418] : memref<2x!tpu.dma_semaphore, #tpu.memory_space<semaphore_mem>> -> memref<1x!tpu.dma_semaphore, #tpu.memory_space<semaphore_mem>>
          %dma_start3A_428 = tpu.memref_squeeze %dma_start3A_427 : memref<1x!tpu.dma_semaphore, #tpu.memory_space<semaphore_mem>> -> memref<!tpu.dma_semaphore, #tpu.memory_space<semaphore_mem>>
          %dma_start3A_429 = arith.constant 0 : i32
          %dma_start3A_430 = tpu.memref_slice %arg4[%mul3A_420, %dma_start3A_429] : memref<819200x64xf32, #tpu.memory_space<hbm>> -> memref<512x64xf32, #tpu.memory_space<hbm>>
          %dma_start3A_431 = arith.constant 0 : i32
          %dma_start3A_432 = arith.constant 0 : i32
          %dma_start3A_433 = tpu.memref_slice %run_scoped3A_8[%rem3A_418, %dma_start3A_431, %dma_start3A_432] : memref<2x512x64xf32, #tpu.memory_space<vmem>> -> memref<1x512x64xf32, #tpu.memory_space<vmem>>
          %dma_start3A_434 = tpu.memref_squeeze %dma_start3A_433 : memref<1x512x64xf32, #tpu.memory_space<vmem>> -> memref<512x64xf32, #tpu.memory_space<vmem>>
          tpu.enqueue_dma source(%dma_start3A_434 : memref<512x64xf32, #tpu.memory_space<vmem>>) target(%dma_start3A_430 : memref<512x64xf32, #tpu.memory_space<hbm>>) target_semaphore(%dma_start3A_428 : memref<!tpu.dma_semaphore, #tpu.memory_space<semaphore_mem>>)
          "tpu.trace_stop"() : () -> ()
        } else {
        }
        %and3A_366 = arith.constant true
        %and3A_367 = arith.andi %or3A_362, %and3A_366 : i1
        %add3A_368 = arith.constant 1 : i32
        %add3A_369 = arith.addi %scan3A_124, %add3A_368 : i32
        %select_n3A_370 = arith.select %and3A_367, %add3A_369, %scan3A_124 : i32
        %ne3A_371 = arith.cmpi ne, %add3A_131, %add3A_140 : i32
        %or3A_372 = arith.constant false
        %or3A_373 = arith.ori %or3A_372, %ne3A_371 : i1
        %or3A_374 = arith.constant false
        %or3A_375 = arith.ori %or3A_373, %or3A_374 : i1
        %not3A_376 = arith.constant true
        %not3A_377 = arith.xori %eq3A_128, %not3A_376 : i1
        %and3A_378 = arith.andi %or3A_375, %not3A_377 : i1
        %convert_element_type3A_379 = arith.extui %and3A_378 : i1 to i32
        %cond3A_380 = arith.constant 0 : i32
        %cond3A_381 = arith.cmpi ne, %convert_element_type3A_379, %cond3A_380 : i32
        scf.if %cond3A_381 {
        } else {
        }
        %and3A_382 = arith.constant false
        %and3A_383 = arith.andi %and3A_378, %and3A_382 : i1
        %ne3A_384 = arith.cmpi ne, %add3A_131, %add3A_140 : i32
        %or3A_385 = arith.constant false
        %or3A_386 = arith.ori %or3A_385, %ne3A_384 : i1
        %or3A_387 = arith.constant false
        %or3A_388 = arith.ori %or3A_386, %or3A_387 : i1
        %not3A_389 = arith.constant true
        %not3A_390 = arith.xori %eq3A_128, %not3A_389 : i1
        %and3A_391 = arith.andi %or3A_388, %not3A_390 : i1
        %convert_element_type3A_392 = arith.extui %and3A_391 : i1 to i32
        %cond3A_393 = arith.constant 0 : i32
        %cond3A_394 = arith.cmpi ne, %convert_element_type3A_392, %cond3A_393 : i32
        scf.if %cond3A_394 {
          "tpu.trace_start"() <{level = 10 : i32, message = "ep_wait_out"}> : () -> ()
          %rem3A_417 = arith.constant 2 : i32
          %rem3A_418 = arith.remui %scan3A_125, %rem3A_417 : i32
          %mul3A_419 = arith.constant 512 : i32
          %mul3A_420 = arith.muli %mul3A_419, %add3A_140 : i32
          %dma_wait3A_421 = arith.constant 0 : i32
          %dma_wait3A_422 = arith.constant 0 : i32
          %dma_wait3A_423 = tpu.memref_slice %run_scoped3A_8[%rem3A_418, %dma_wait3A_421, %dma_wait3A_422] : memref<2x512x64xf32, #tpu.memory_space<vmem>> -> memref<1x512x64xf32, #tpu.memory_space<vmem>>
          %dma_wait3A_424 = tpu.memref_squeeze %dma_wait3A_423 : memref<1x512x64xf32, #tpu.memory_space<vmem>> -> memref<512x64xf32, #tpu.memory_space<vmem>>
          %dma_wait3A_425 = arith.constant 0 : i32
          %dma_wait3A_426 = tpu.memref_slice %arg4[%mul3A_420, %dma_wait3A_425] : memref<819200x64xf32, #tpu.memory_space<hbm>> -> memref<512x64xf32, #tpu.memory_space<hbm>>
          %dma_wait3A_427 = tpu.memref_slice %run_scoped3A_9[%rem3A_418] : memref<2x!tpu.dma_semaphore, #tpu.memory_space<semaphore_mem>> -> memref<1x!tpu.dma_semaphore, #tpu.memory_space<semaphore_mem>>
          %dma_wait3A_428 = tpu.memref_squeeze %dma_wait3A_427 : memref<1x!tpu.dma_semaphore, #tpu.memory_space<semaphore_mem>> -> memref<!tpu.dma_semaphore, #tpu.memory_space<semaphore_mem>>
          %dma_wait3A_429 = arith.constant 0 : i32
          %dma_wait3A_430 = tpu.memref_slice %arg4[%mul3A_420, %dma_wait3A_429] : memref<819200x64xf32, #tpu.memory_space<hbm>> -> memref<512x64xf32, #tpu.memory_space<hbm>>
          %dma_wait3A_431 = arith.constant 0 : i32
          %dma_wait3A_432 = arith.constant 0 : i32
          %dma_wait3A_433 = tpu.memref_slice %run_scoped3A_8[%rem3A_418, %dma_wait3A_431, %dma_wait3A_432] : memref<2x512x64xf32, #tpu.memory_space<vmem>> -> memref<1x512x64xf32, #tpu.memory_space<vmem>>
          %dma_wait3A_434 = tpu.memref_squeeze %dma_wait3A_433 : memref<1x512x64xf32, #tpu.memory_space<vmem>> -> memref<512x64xf32, #tpu.memory_space<vmem>>
          tpu.wait_dma2 semaphore(%dma_wait3A_428 : memref<!tpu.dma_semaphore, #tpu.memory_space<semaphore_mem>>) src(%dma_wait3A_434 : memref<512x64xf32, #tpu.memory_space<vmem>>) dst(%dma_wait3A_430 : memref<512x64xf32, #tpu.memory_space<hbm>>)
          "tpu.trace_stop"() : () -> ()
        } else {
        }
        %and3A_395 = arith.constant true
        %and3A_396 = arith.andi %and3A_391, %and3A_395 : i1
        %add3A_397 = arith.constant 1 : i32
        %add3A_398 = arith.addi %scan3A_125, %add3A_397 : i32
        %select_n3A_399 = arith.select %and3A_396, %add3A_398, %scan3A_125 : i32
        %ne3A_400 = arith.cmpi ne, %add3A_131, %add3A_149 : i32
        %or3A_401 = arith.constant false
        %or3A_402 = arith.ori %or3A_401, %ne3A_400 : i1
        %or3A_403 = arith.constant false
        %or3A_404 = arith.ori %or3A_402, %or3A_403 : i1
        %or3A_405 = arith.ori %or3A_404, %eq3A_130 : i1
        %add3A_406 = arith.constant 1 : i32
        %add3A_407 = arith.addi %scan3A_123, %add3A_406 : i32
        %select_n3A_408 = arith.select %or3A_405, %add3A_407, %scan3A_123 : i32
        %add3A_409 = arith.constant 1 : i32
        %add3A_410 = arith.addi %scan3A_126, %add3A_409 : i32
        %select_n3A_411 = arith.constant true
        %select_n3A_412 = arith.select %select_n3A_411, %add3A_410, %scan3A_126 : i32
        %eq3A_413 = arith.constant 50 : i32
        %eq3A_414 = arith.cmpi eq, %select_n3A_412, %eq3A_413 : i32
        %select_n3A_415 = arith.constant 0 : i32
        %select_n3A_416 = arith.select %eq3A_414, %select_n3A_415, %select_n3A_412 : i32
        scf.yield %select_n3A_169, %select_n3A_408, %select_n3A_370, %select_n3A_399, %select_n3A_416 : i32, i32, i32, i32, i32
      }
      %scan3A_68 = arith.constant 50 : i32
      %sub3A = arith.constant 1 : i32
      %sub3A_69 = arith.subi %scan3A_67#4, %sub3A : i32
      %select_n3A_70 = arith.constant true
      %select_n3A_71 = arith.select %select_n3A_70, %sub3A_69, %scan3A_67#4 : i32
      %eq3A_72 = arith.constant -1 : i32
      %eq3A_73 = arith.cmpi eq, %select_n3A_71, %eq3A_72 : i32
      %select_n3A_74 = arith.constant 49 : i32
      %select_n3A_75 = arith.select %eq3A_73, %select_n3A_74, %select_n3A_71 : i32
      %add3A_76 = arith.addi %select_n3A_75, %mul3A_6 : i32
      %sub3A_77 = arith.constant 1 : i32
      %sub3A_78 = arith.subi %select_n3A_75, %sub3A_77 : i32
      %select_n3A_79 = arith.constant true
      %select_n3A_80 = arith.select %select_n3A_79, %sub3A_78, %select_n3A_75 : i32
      %eq3A_81 = arith.constant -1 : i32
      %eq3A_82 = arith.cmpi eq, %select_n3A_80, %eq3A_81 : i32
      %select_n3A_83 = arith.constant 49 : i32
      %select_n3A_84 = arith.select %eq3A_82, %select_n3A_83, %select_n3A_80 : i32
      %add3A_85 = arith.addi %select_n3A_84, %mul3A_6 : i32
      %add3A_86 = arith.constant 1 : i32
      %add3A_87 = arith.addi %select_n3A_75, %add3A_86 : i32
      %select_n3A_88 = arith.constant true
      %select_n3A_89 = arith.select %select_n3A_88, %add3A_87, %select_n3A_75 : i32
      %eq3A_90 = arith.constant 50 : i32
      %eq3A_91 = arith.cmpi eq, %select_n3A_89, %eq3A_90 : i32
      %select_n3A_92 = arith.constant 0 : i32
      %select_n3A_93 = arith.select %eq3A_91, %select_n3A_92, %select_n3A_89 : i32
      %add3A_94 = arith.addi %select_n3A_93, %mul3A_6 : i32
      %add3A_95 = arith.constant 1 : i32
      %add3A_96 = arith.addi %select_n3A_93, %add3A_95 : i32
      %select_n3A_97 = arith.constant true
      %select_n3A_98 = arith.select %select_n3A_97, %add3A_96, %select_n3A_93 : i32
      %eq3A_99 = arith.constant 50 : i32
      %eq3A_100 = arith.cmpi eq, %select_n3A_98, %eq3A_99 : i32
      %select_n3A_101 = arith.constant 0 : i32
      %select_n3A_102 = arith.select %eq3A_100, %select_n3A_101, %select_n3A_98 : i32
      %add3A_103 = arith.addi %select_n3A_102, %mul3A_6 : i32
      "tpu.trace_start"() <{level = 10 : i32, message = "ep_finalize"}> : () -> ()
      %rem3A_104 = arith.constant 2 : i32
      %rem3A_105 = arith.remui %scan3A_67#3, %rem3A_104 : i32
      %mul3A_106 = arith.constant 512 : i32
      %mul3A_107 = arith.muli %mul3A_106, %add3A_76 : i32
      %dma_wait3A = arith.constant 0 : i32
      %dma_wait3A_108 = arith.constant 0 : i32
      %dma_wait3A_109 = tpu.memref_slice %run_scoped3A_8[%rem3A_105, %dma_wait3A, %dma_wait3A_108] : memref<2x512x64xf32, #tpu.memory_space<vmem>> -> memref<1x512x64xf32, #tpu.memory_space<vmem>>
      %dma_wait3A_110 = tpu.memref_squeeze %dma_wait3A_109 : memref<1x512x64xf32, #tpu.memory_space<vmem>> -> memref<512x64xf32, #tpu.memory_space<vmem>>
      %dma_wait3A_111 = arith.constant 0 : i32
      %dma_wait3A_112 = tpu.memref_slice %arg4[%mul3A_107, %dma_wait3A_111] : memref<819200x64xf32, #tpu.memory_space<hbm>> -> memref<512x64xf32, #tpu.memory_space<hbm>>
      %dma_wait3A_113 = tpu.memref_slice %run_scoped3A_9[%rem3A_105] : memref<2x!tpu.dma_semaphore, #tpu.memory_space<semaphore_mem>> -> memref<1x!tpu.dma_semaphore, #tpu.memory_space<semaphore_mem>>
      %dma_wait3A_114 = tpu.memref_squeeze %dma_wait3A_113 : memref<1x!tpu.dma_semaphore, #tpu.memory_space<semaphore_mem>> -> memref<!tpu.dma_semaphore, #tpu.memory_space<semaphore_mem>>
      %dma_wait3A_115 = arith.constant 0 : i32
      %dma_wait3A_116 = tpu.memref_slice %arg4[%mul3A_107, %dma_wait3A_115] : memref<819200x64xf32, #tpu.memory_space<hbm>> -> memref<512x64xf32, #tpu.memory_space<hbm>>
      %dma_wait3A_117 = arith.constant 0 : i32
      %dma_wait3A_118 = arith.constant 0 : i32
      %dma_wait3A_119 = tpu.memref_slice %run_scoped3A_8[%rem3A_105, %dma_wait3A_117, %dma_wait3A_118] : memref<2x512x64xf32, #tpu.memory_space<vmem>> -> memref<1x512x64xf32, #tpu.memory_space<vmem>>
      %dma_wait3A_120 = tpu.memref_squeeze %dma_wait3A_119 : memref<1x512x64xf32, #tpu.memory_space<vmem>> -> memref<512x64xf32, #tpu.memory_space<vmem>>
      tpu.wait_dma2 semaphore(%dma_wait3A_114 : memref<!tpu.dma_semaphore, #tpu.memory_space<semaphore_mem>>) src(%dma_wait3A_120 : memref<512x64xf32, #tpu.memory_space<vmem>>) dst(%dma_wait3A_116 : memref<512x64xf32, #tpu.memory_space<hbm>>)
      "tpu.trace_stop"() : () -> ()
      tpu.yield
    }) : () -> ()
    return
  }
}

module attributes {stable_mosaic.version = 14 : i64} {
  func.func @body(%arg0: i32, %arg1: i32, %arg2: memref<8x256x128xf32, #tpu.memory_space<vmem>>, %arg3: memref<8x64x512xf32, #tpu.memory_space<vmem>>) attributes {dimension_semantics = [#tpu.dimension_semantics<arbitrary>, #tpu.dimension_semantics<arbitrary>], iteration_bounds = array<i64: 25, 8>, scalar_prefetch = 0 : i64, scratch_operands = 0 : i64, tpu.core_type = #tpu.core_type<tc>, window_params = [{transform_indices = @transform_0, window_bounds = array<i64: 8, 256, 128>}, {transform_indices = @transform_1, window_bounds = array<i64: 8, 64, 512>}]} {
    %get3A = arith.constant 0 : index
    %get3A_0 = arith.constant 0 : index
    %get3A_1 = arith.constant 0 : index
    %get3A_2 = vector.load %arg2[%get3A, %get3A_0, %get3A_1] : memref<8x256x128xf32, #tpu.memory_space<vmem>>, vector<1x64x128xf32>
    %get3A_3 = vector.shape_cast %get3A_2 : vector<1x64x128xf32> to vector<64x128xf32>
    %slice3A = vector.extract_strided_slice %get3A_3 {offsets = [0, 0], sizes = [64, 64], strides = [1, 1]} : vector<64x128xf32> to vector<64x64xf32>
    %transpose3A = tpu.transpose %slice3A, [1, 0] : vector<64x64xf32> -> vector<64x64xf32>
    %swap3A = arith.constant 0 : index
    %swap3A_4 = arith.constant 0 : index
    %swap3A_5 = arith.constant 0 : index
    %swap3A_6 = vector.load %arg3[%swap3A, %swap3A_4, %swap3A_5] : memref<8x64x512xf32, #tpu.memory_space<vmem>>, vector<1x64x64xf32>
    %swap3A_7 = vector.shape_cast %swap3A_6 : vector<1x64x64xf32> to vector<64x64xf32>
    %swap3A_8 = vector.shape_cast %transpose3A : vector<64x64xf32> to vector<1x64x64xf32>
    tpu.vector_store %arg3[%swap3A, %swap3A_4, %swap3A_5], %swap3A_8 {strides = array<i32>} : memref<8x64x512xf32, #tpu.memory_space<vmem>>, vector<1x64x64xf32>,
    %slice3A_9 = vector.extract_strided_slice %get3A_3 {offsets = [0, 64], sizes = [64, 64], strides = [1, 1]} : vector<64x128xf32> to vector<64x64xf32>
    %transpose3A_10 = tpu.transpose %slice3A_9, [1, 0] : vector<64x64xf32> -> vector<64x64xf32>
    %swap3A_11 = arith.constant 0 : index
    %swap3A_12 = arith.constant 0 : index
    %swap3A_13 = arith.constant 64 : index
    %swap3A_14 = vector.load %arg3[%swap3A_11, %swap3A_12, %swap3A_13] : memref<8x64x512xf32, #tpu.memory_space<vmem>>, vector<1x64x64xf32>
    %swap3A_15 = vector.shape_cast %swap3A_14 : vector<1x64x64xf32> to vector<64x64xf32>
    %swap3A_16 = vector.shape_cast %transpose3A_10 : vector<64x64xf32> to vector<1x64x64xf32>
    tpu.vector_store %arg3[%swap3A_11, %swap3A_12, %swap3A_13], %swap3A_16 {strides = array<i32>} : memref<8x64x512xf32, #tpu.memory_space<vmem>>, vector<1x64x64xf32>,
    %get3A_17 = arith.constant 0 : index
    %get3A_18 = arith.constant 64 : index
    %get3A_19 = arith.constant 0 : index
    %get3A_20 = vector.load %arg2[%get3A_17, %get3A_18, %get3A_19] : memref<8x256x128xf32, #tpu.memory_space<vmem>>, vector<1x64x128xf32>
    %get3A_21 = vector.shape_cast %get3A_20 : vector<1x64x128xf32> to vector<64x128xf32>
    %slice3A_22 = vector.extract_strided_slice %get3A_21 {offsets = [0, 0], sizes = [64, 64], strides = [1, 1]} : vector<64x128xf32> to vector<64x64xf32>
    %transpose3A_23 = tpu.transpose %slice3A_22, [1, 0] : vector<64x64xf32> -> vector<64x64xf32>
    %swap3A_24 = arith.constant 0 : index
    %swap3A_25 = arith.constant 0 : index
    %swap3A_26 = arith.constant 128 : index
    %swap3A_27 = vector.load %arg3[%swap3A_24, %swap3A_25, %swap3A_26] : memref<8x64x512xf32, #tpu.memory_space<vmem>>, vector<1x64x64xf32>
    %swap3A_28 = vector.shape_cast %swap3A_27 : vector<1x64x64xf32> to vector<64x64xf32>
    %swap3A_29 = vector.shape_cast %transpose3A_23 : vector<64x64xf32> to vector<1x64x64xf32>
    tpu.vector_store %arg3[%swap3A_24, %swap3A_25, %swap3A_26], %swap3A_29 {strides = array<i32>} : memref<8x64x512xf32, #tpu.memory_space<vmem>>, vector<1x64x64xf32>,
    %slice3A_30 = vector.extract_strided_slice %get3A_21 {offsets = [0, 64], sizes = [64, 64], strides = [1, 1]} : vector<64x128xf32> to vector<64x64xf32>
    %transpose3A_31 = tpu.transpose %slice3A_30, [1, 0] : vector<64x64xf32> -> vector<64x64xf32>
    %swap3A_32 = arith.constant 0 : index
    %swap3A_33 = arith.constant 0 : index
    %swap3A_34 = arith.constant 192 : index
    %swap3A_35 = vector.load %arg3[%swap3A_32, %swap3A_33, %swap3A_34] : memref<8x64x512xf32, #tpu.memory_space<vmem>>, vector<1x64x64xf32>
    %swap3A_36 = vector.shape_cast %swap3A_35 : vector<1x64x64xf32> to vector<64x64xf32>
    %swap3A_37 = vector.shape_cast %transpose3A_31 : vector<64x64xf32> to vector<1x64x64xf32>
    tpu.vector_store %arg3[%swap3A_32, %swap3A_33, %swap3A_34], %swap3A_37 {strides = array<i32>} : memref<8x64x512xf32, #tpu.memory_space<vmem>>, vector<1x64x64xf32>,
    %get3A_38 = arith.constant 0 : index
    %get3A_39 = arith.constant 128 : index
    %get3A_40 = arith.constant 0 : index
    %get3A_41 = vector.load %arg2[%get3A_38, %get3A_39, %get3A_40] : memref<8x256x128xf32, #tpu.memory_space<vmem>>, vector<1x64x128xf32>
    %get3A_42 = vector.shape_cast %get3A_41 : vector<1x64x128xf32> to vector<64x128xf32>
    %slice3A_43 = vector.extract_strided_slice %get3A_42 {offsets = [0, 0], sizes = [64, 64], strides = [1, 1]} : vector<64x128xf32> to vector<64x64xf32>
    %transpose3A_44 = tpu.transpose %slice3A_43, [1, 0] : vector<64x64xf32> -> vector<64x64xf32>
    %swap3A_45 = arith.constant 0 : index
    %swap3A_46 = arith.constant 0 : index
    %swap3A_47 = arith.constant 256 : index
    %swap3A_48 = vector.load %arg3[%swap3A_45, %swap3A_46, %swap3A_47] : memref<8x64x512xf32, #tpu.memory_space<vmem>>, vector<1x64x64xf32>
    %swap3A_49 = vector.shape_cast %swap3A_48 : vector<1x64x64xf32> to vector<64x64xf32>
    %swap3A_50 = vector.shape_cast %transpose3A_44 : vector<64x64xf32> to vector<1x64x64xf32>
    tpu.vector_store %arg3[%swap3A_45, %swap3A_46, %swap3A_47], %swap3A_50 {strides = array<i32>} : memref<8x64x512xf32, #tpu.memory_space<vmem>>, vector<1x64x64xf32>,
    %slice3A_51 = vector.extract_strided_slice %get3A_42 {offsets = [0, 64], sizes = [64, 64], strides = [1, 1]} : vector<64x128xf32> to vector<64x64xf32>
    %transpose3A_52 = tpu.transpose %slice3A_51, [1, 0] : vector<64x64xf32> -> vector<64x64xf32>
    %swap3A_53 = arith.constant 0 : index
    %swap3A_54 = arith.constant 0 : index
    %swap3A_55 = arith.constant 320 : index
    %swap3A_56 = vector.load %arg3[%swap3A_53, %swap3A_54, %swap3A_55] : memref<8x64x512xf32, #tpu.memory_space<vmem>>, vector<1x64x64xf32>
    %swap3A_57 = vector.shape_cast %swap3A_56 : vector<1x64x64xf32> to vector<64x64xf32>
    %swap3A_58 = vector.shape_cast %transpose3A_52 : vector<64x64xf32> to vector<1x64x64xf32>
    tpu.vector_store %arg3[%swap3A_53, %swap3A_54, %swap3A_55], %swap3A_58 {strides = array<i32>} : memref<8x64x512xf32, #tpu.memory_space<vmem>>, vector<1x64x64xf32>,
    %get3A_59 = arith.constant 0 : index
    %get3A_60 = arith.constant 192 : index
    %get3A_61 = arith.constant 0 : index
    %get3A_62 = vector.load %arg2[%get3A_59, %get3A_60, %get3A_61] : memref<8x256x128xf32, #tpu.memory_space<vmem>>, vector<1x64x128xf32>
    %get3A_63 = vector.shape_cast %get3A_62 : vector<1x64x128xf32> to vector<64x128xf32>
    %slice3A_64 = vector.extract_strided_slice %get3A_63 {offsets = [0, 0], sizes = [64, 64], strides = [1, 1]} : vector<64x128xf32> to vector<64x64xf32>
    %transpose3A_65 = tpu.transpose %slice3A_64, [1, 0] : vector<64x64xf32> -> vector<64x64xf32>
    %swap3A_66 = arith.constant 0 : index
    %swap3A_67 = arith.constant 0 : index
    %swap3A_68 = arith.constant 384 : index
    %swap3A_69 = vector.load %arg3[%swap3A_66, %swap3A_67, %swap3A_68] : memref<8x64x512xf32, #tpu.memory_space<vmem>>, vector<1x64x64xf32>
    %swap3A_70 = vector.shape_cast %swap3A_69 : vector<1x64x64xf32> to vector<64x64xf32>
    %swap3A_71 = vector.shape_cast %transpose3A_65 : vector<64x64xf32> to vector<1x64x64xf32>
    tpu.vector_store %arg3[%swap3A_66, %swap3A_67, %swap3A_68], %swap3A_71 {strides = array<i32>} : memref<8x64x512xf32, #tpu.memory_space<vmem>>, vector<1x64x64xf32>,
    %slice3A_72 = vector.extract_strided_slice %get3A_63 {offsets = [0, 64], sizes = [64, 64], strides = [1, 1]} : vector<64x128xf32> to vector<64x64xf32>
    %transpose3A_73 = tpu.transpose %slice3A_72, [1, 0] : vector<64x64xf32> -> vector<64x64xf32>
    %swap3A_74 = arith.constant 0 : index
    %swap3A_75 = arith.constant 0 : index
    %swap3A_76 = arith.constant 448 : index
    %swap3A_77 = vector.load %arg3[%swap3A_74, %swap3A_75, %swap3A_76] : memref<8x64x512xf32, #tpu.memory_space<vmem>>, vector<1x64x64xf32>
    %swap3A_78 = vector.shape_cast %swap3A_77 : vector<1x64x64xf32> to vector<64x64xf32>
    %swap3A_79 = vector.shape_cast %transpose3A_73 : vector<64x64xf32> to vector<1x64x64xf32>
    tpu.vector_store %arg3[%swap3A_74, %swap3A_75, %swap3A_76], %swap3A_79 {strides = array<i32>} : memref<8x64x512xf32, #tpu.memory_space<vmem>>, vector<1x64x64xf32>,
    %get3A_80 = arith.constant 1 : index
    %get3A_81 = arith.constant 0 : index
    %get3A_82 = arith.constant 0 : index
    %get3A_83 = vector.load %arg2[%get3A_80, %get3A_81, %get3A_82] : memref<8x256x128xf32, #tpu.memory_space<vmem>>, vector<1x64x128xf32>
    %get3A_84 = vector.shape_cast %get3A_83 : vector<1x64x128xf32> to vector<64x128xf32>
    %slice3A_85 = vector.extract_strided_slice %get3A_84 {offsets = [0, 0], sizes = [64, 64], strides = [1, 1]} : vector<64x128xf32> to vector<64x64xf32>
    %transpose3A_86 = tpu.transpose %slice3A_85, [1, 0] : vector<64x64xf32> -> vector<64x64xf32>
    %swap3A_87 = arith.constant 1 : index
    %swap3A_88 = arith.constant 0 : index
    %swap3A_89 = arith.constant 0 : index
    %swap3A_90 = vector.load %arg3[%swap3A_87, %swap3A_88, %swap3A_89] : memref<8x64x512xf32, #tpu.memory_space<vmem>>, vector<1x64x64xf32>
    %swap3A_91 = vector.shape_cast %swap3A_90 : vector<1x64x64xf32> to vector<64x64xf32>
    %swap3A_92 = vector.shape_cast %transpose3A_86 : vector<64x64xf32> to vector<1x64x64xf32>
    tpu.vector_store %arg3[%swap3A_87, %swap3A_88, %swap3A_89], %swap3A_92 {strides = array<i32>} : memref<8x64x512xf32, #tpu.memory_space<vmem>>, vector<1x64x64xf32>,
    %slice3A_93 = vector.extract_strided_slice %get3A_84 {offsets = [0, 64], sizes = [64, 64], strides = [1, 1]} : vector<64x128xf32> to vector<64x64xf32>
    %transpose3A_94 = tpu.transpose %slice3A_93, [1, 0] : vector<64x64xf32> -> vector<64x64xf32>
    %swap3A_95 = arith.constant 1 : index
    %swap3A_96 = arith.constant 0 : index
    %swap3A_97 = arith.constant 64 : index
    %swap3A_98 = vector.load %arg3[%swap3A_95, %swap3A_96, %swap3A_97] : memref<8x64x512xf32, #tpu.memory_space<vmem>>, vector<1x64x64xf32>
    %swap3A_99 = vector.shape_cast %swap3A_98 : vector<1x64x64xf32> to vector<64x64xf32>
    %swap3A_100 = vector.shape_cast %transpose3A_94 : vector<64x64xf32> to vector<1x64x64xf32>
    tpu.vector_store %arg3[%swap3A_95, %swap3A_96, %swap3A_97], %swap3A_100 {strides = array<i32>} : memref<8x64x512xf32, #tpu.memory_space<vmem>>, vector<1x64x64xf32>,
    %get3A_101 = arith.constant 1 : index
    %get3A_102 = arith.constant 64 : index
    %get3A_103 = arith.constant 0 : index
    %get3A_104 = vector.load %arg2[%get3A_101, %get3A_102, %get3A_103] : memref<8x256x128xf32, #tpu.memory_space<vmem>>, vector<1x64x128xf32>
    %get3A_105 = vector.shape_cast %get3A_104 : vector<1x64x128xf32> to vector<64x128xf32>
    %slice3A_106 = vector.extract_strided_slice %get3A_105 {offsets = [0, 0], sizes = [64, 64], strides = [1, 1]} : vector<64x128xf32> to vector<64x64xf32>
    %transpose3A_107 = tpu.transpose %slice3A_106, [1, 0] : vector<64x64xf32> -> vector<64x64xf32>
    %swap3A_108 = arith.constant 1 : index
    %swap3A_109 = arith.constant 0 : index
    %swap3A_110 = arith.constant 128 : index
    %swap3A_111 = vector.load %arg3[%swap3A_108, %swap3A_109, %swap3A_110] : memref<8x64x512xf32, #tpu.memory_space<vmem>>, vector<1x64x64xf32>
    %swap3A_112 = vector.shape_cast %swap3A_111 : vector<1x64x64xf32> to vector<64x64xf32>
    %swap3A_113 = vector.shape_cast %transpose3A_107 : vector<64x64xf32> to vector<1x64x64xf32>
    tpu.vector_store %arg3[%swap3A_108, %swap3A_109, %swap3A_110], %swap3A_113 {strides = array<i32>} : memref<8x64x512xf32, #tpu.memory_space<vmem>>, vector<1x64x64xf32>,
    %slice3A_114 = vector.extract_strided_slice %get3A_105 {offsets = [0, 64], sizes = [64, 64], strides = [1, 1]} : vector<64x128xf32> to vector<64x64xf32>
    %transpose3A_115 = tpu.transpose %slice3A_114, [1, 0] : vector<64x64xf32> -> vector<64x64xf32>
    %swap3A_116 = arith.constant 1 : index
    %swap3A_117 = arith.constant 0 : index
    %swap3A_118 = arith.constant 192 : index
    %swap3A_119 = vector.load %arg3[%swap3A_116, %swap3A_117, %swap3A_118] : memref<8x64x512xf32, #tpu.memory_space<vmem>>, vector<1x64x64xf32>
    %swap3A_120 = vector.shape_cast %swap3A_119 : vector<1x64x64xf32> to vector<64x64xf32>
    %swap3A_121 = vector.shape_cast %transpose3A_115 : vector<64x64xf32> to vector<1x64x64xf32>
    tpu.vector_store %arg3[%swap3A_116, %swap3A_117, %swap3A_118], %swap3A_121 {strides = array<i32>} : memref<8x64x512xf32, #tpu.memory_space<vmem>>, vector<1x64x64xf32>,
    %get3A_122 = arith.constant 1 : index
    %get3A_123 = arith.constant 128 : index
    %get3A_124 = arith.constant 0 : index
    %get3A_125 = vector.load %arg2[%get3A_122, %get3A_123, %get3A_124] : memref<8x256x128xf32, #tpu.memory_space<vmem>>, vector<1x64x128xf32>
    %get3A_126 = vector.shape_cast %get3A_125 : vector<1x64x128xf32> to vector<64x128xf32>
    %slice3A_127 = vector.extract_strided_slice %get3A_126 {offsets = [0, 0], sizes = [64, 64], strides = [1, 1]} : vector<64x128xf32> to vector<64x64xf32>
    %transpose3A_128 = tpu.transpose %slice3A_127, [1, 0] : vector<64x64xf32> -> vector<64x64xf32>
    %swap3A_129 = arith.constant 1 : index
    %swap3A_130 = arith.constant 0 : index
    %swap3A_131 = arith.constant 256 : index
    %swap3A_132 = vector.load %arg3[%swap3A_129, %swap3A_130, %swap3A_131] : memref<8x64x512xf32, #tpu.memory_space<vmem>>, vector<1x64x64xf32>
    %swap3A_133 = vector.shape_cast %swap3A_132 : vector<1x64x64xf32> to vector<64x64xf32>
    %swap3A_134 = vector.shape_cast %transpose3A_128 : vector<64x64xf32> to vector<1x64x64xf32>
    tpu.vector_store %arg3[%swap3A_129, %swap3A_130, %swap3A_131], %swap3A_134 {strides = array<i32>} : memref<8x64x512xf32, #tpu.memory_space<vmem>>, vector<1x64x64xf32>,
    %slice3A_135 = vector.extract_strided_slice %get3A_126 {offsets = [0, 64], sizes = [64, 64], strides = [1, 1]} : vector<64x128xf32> to vector<64x64xf32>
    %transpose3A_136 = tpu.transpose %slice3A_135, [1, 0] : vector<64x64xf32> -> vector<64x64xf32>
    %swap3A_137 = arith.constant 1 : index
    %swap3A_138 = arith.constant 0 : index
    %swap3A_139 = arith.constant 320 : index
    %swap3A_140 = vector.load %arg3[%swap3A_137, %swap3A_138, %swap3A_139] : memref<8x64x512xf32, #tpu.memory_space<vmem>>, vector<1x64x64xf32>
    %swap3A_141 = vector.shape_cast %swap3A_140 : vector<1x64x64xf32> to vector<64x64xf32>
    %swap3A_142 = vector.shape_cast %transpose3A_136 : vector<64x64xf32> to vector<1x64x64xf32>
    tpu.vector_store %arg3[%swap3A_137, %swap3A_138, %swap3A_139], %swap3A_142 {strides = array<i32>} : memref<8x64x512xf32, #tpu.memory_space<vmem>>, vector<1x64x64xf32>,
    %get3A_143 = arith.constant 1 : index
    %get3A_144 = arith.constant 192 : index
    %get3A_145 = arith.constant 0 : index
    %get3A_146 = vector.load %arg2[%get3A_143, %get3A_144, %get3A_145] : memref<8x256x128xf32, #tpu.memory_space<vmem>>, vector<1x64x128xf32>
    %get3A_147 = vector.shape_cast %get3A_146 : vector<1x64x128xf32> to vector<64x128xf32>
    %slice3A_148 = vector.extract_strided_slice %get3A_147 {offsets = [0, 0], sizes = [64, 64], strides = [1, 1]} : vector<64x128xf32> to vector<64x64xf32>
    %transpose3A_149 = tpu.transpose %slice3A_148, [1, 0] : vector<64x64xf32> -> vector<64x64xf32>
    %swap3A_150 = arith.constant 1 : index
    %swap3A_151 = arith.constant 0 : index
    %swap3A_152 = arith.constant 384 : index
    %swap3A_153 = vector.load %arg3[%swap3A_150, %swap3A_151, %swap3A_152] : memref<8x64x512xf32, #tpu.memory_space<vmem>>, vector<1x64x64xf32>
    %swap3A_154 = vector.shape_cast %swap3A_153 : vector<1x64x64xf32> to vector<64x64xf32>
    %swap3A_155 = vector.shape_cast %transpose3A_149 : vector<64x64xf32> to vector<1x64x64xf32>
    tpu.vector_store %arg3[%swap3A_150, %swap3A_151, %swap3A_152], %swap3A_155 {strides = array<i32>} : memref<8x64x512xf32, #tpu.memory_space<vmem>>, vector<1x64x64xf32>,
    %slice3A_156 = vector.extract_strided_slice %get3A_147 {offsets = [0, 64], sizes = [64, 64], strides = [1, 1]} : vector<64x128xf32> to vector<64x64xf32>
    %transpose3A_157 = tpu.transpose %slice3A_156, [1, 0] : vector<64x64xf32> -> vector<64x64xf32>
    %swap3A_158 = arith.constant 1 : index
    %swap3A_159 = arith.constant 0 : index
    %swap3A_160 = arith.constant 448 : index
    %swap3A_161 = vector.load %arg3[%swap3A_158, %swap3A_159, %swap3A_160] : memref<8x64x512xf32, #tpu.memory_space<vmem>>, vector<1x64x64xf32>
    %swap3A_162 = vector.shape_cast %swap3A_161 : vector<1x64x64xf32> to vector<64x64xf32>
    %swap3A_163 = vector.shape_cast %transpose3A_157 : vector<64x64xf32> to vector<1x64x64xf32>
    tpu.vector_store %arg3[%swap3A_158, %swap3A_159, %swap3A_160], %swap3A_163 {strides = array<i32>} : memref<8x64x512xf32, #tpu.memory_space<vmem>>, vector<1x64x64xf32>,
    %get3A_164 = arith.constant 2 : index
    %get3A_165 = arith.constant 0 : index
    %get3A_166 = arith.constant 0 : index
    %get3A_167 = vector.load %arg2[%get3A_164, %get3A_165, %get3A_166] : memref<8x256x128xf32, #tpu.memory_space<vmem>>, vector<1x64x128xf32>
    %get3A_168 = vector.shape_cast %get3A_167 : vector<1x64x128xf32> to vector<64x128xf32>
    %slice3A_169 = vector.extract_strided_slice %get3A_168 {offsets = [0, 0], sizes = [64, 64], strides = [1, 1]} : vector<64x128xf32> to vector<64x64xf32>
    %transpose3A_170 = tpu.transpose %slice3A_169, [1, 0] : vector<64x64xf32> -> vector<64x64xf32>
    %swap3A_171 = arith.constant 2 : index
    %swap3A_172 = arith.constant 0 : index
    %swap3A_173 = arith.constant 0 : index
    %swap3A_174 = vector.load %arg3[%swap3A_171, %swap3A_172, %swap3A_173] : memref<8x64x512xf32, #tpu.memory_space<vmem>>, vector<1x64x64xf32>
    %swap3A_175 = vector.shape_cast %swap3A_174 : vector<1x64x64xf32> to vector<64x64xf32>
    %swap3A_176 = vector.shape_cast %transpose3A_170 : vector<64x64xf32> to vector<1x64x64xf32>
    tpu.vector_store %arg3[%swap3A_171, %swap3A_172, %swap3A_173], %swap3A_176 {strides = array<i32>} : memref<8x64x512xf32, #tpu.memory_space<vmem>>, vector<1x64x64xf32>,
    %slice3A_177 = vector.extract_strided_slice %get3A_168 {offsets = [0, 64], sizes = [64, 64], strides = [1, 1]} : vector<64x128xf32> to vector<64x64xf32>
    %transpose3A_178 = tpu.transpose %slice3A_177, [1, 0] : vector<64x64xf32> -> vector<64x64xf32>
    %swap3A_179 = arith.constant 2 : index
    %swap3A_180 = arith.constant 0 : index
    %swap3A_181 = arith.constant 64 : index
    %swap3A_182 = vector.load %arg3[%swap3A_179, %swap3A_180, %swap3A_181] : memref<8x64x512xf32, #tpu.memory_space<vmem>>, vector<1x64x64xf32>
    %swap3A_183 = vector.shape_cast %swap3A_182 : vector<1x64x64xf32> to vector<64x64xf32>
    %swap3A_184 = vector.shape_cast %transpose3A_178 : vector<64x64xf32> to vector<1x64x64xf32>
    tpu.vector_store %arg3[%swap3A_179, %swap3A_180, %swap3A_181], %swap3A_184 {strides = array<i32>} : memref<8x64x512xf32, #tpu.memory_space<vmem>>, vector<1x64x64xf32>,
    %get3A_185 = arith.constant 2 : index
    %get3A_186 = arith.constant 64 : index
    %get3A_187 = arith.constant 0 : index
    %get3A_188 = vector.load %arg2[%get3A_185, %get3A_186, %get3A_187] : memref<8x256x128xf32, #tpu.memory_space<vmem>>, vector<1x64x128xf32>
    %get3A_189 = vector.shape_cast %get3A_188 : vector<1x64x128xf32> to vector<64x128xf32>
    %slice3A_190 = vector.extract_strided_slice %get3A_189 {offsets = [0, 0], sizes = [64, 64], strides = [1, 1]} : vector<64x128xf32> to vector<64x64xf32>
    %transpose3A_191 = tpu.transpose %slice3A_190, [1, 0] : vector<64x64xf32> -> vector<64x64xf32>
    %swap3A_192 = arith.constant 2 : index
    %swap3A_193 = arith.constant 0 : index
    %swap3A_194 = arith.constant 128 : index
    %swap3A_195 = vector.load %arg3[%swap3A_192, %swap3A_193, %swap3A_194] : memref<8x64x512xf32, #tpu.memory_space<vmem>>, vector<1x64x64xf32>
    %swap3A_196 = vector.shape_cast %swap3A_195 : vector<1x64x64xf32> to vector<64x64xf32>
    %swap3A_197 = vector.shape_cast %transpose3A_191 : vector<64x64xf32> to vector<1x64x64xf32>
    tpu.vector_store %arg3[%swap3A_192, %swap3A_193, %swap3A_194], %swap3A_197 {strides = array<i32>} : memref<8x64x512xf32, #tpu.memory_space<vmem>>, vector<1x64x64xf32>,
    %slice3A_198 = vector.extract_strided_slice %get3A_189 {offsets = [0, 64], sizes = [64, 64], strides = [1, 1]} : vector<64x128xf32> to vector<64x64xf32>
    %transpose3A_199 = tpu.transpose %slice3A_198, [1, 0] : vector<64x64xf32> -> vector<64x64xf32>
    %swap3A_200 = arith.constant 2 : index
    %swap3A_201 = arith.constant 0 : index
    %swap3A_202 = arith.constant 192 : index
    %swap3A_203 = vector.load %arg3[%swap3A_200, %swap3A_201, %swap3A_202] : memref<8x64x512xf32, #tpu.memory_space<vmem>>, vector<1x64x64xf32>
    %swap3A_204 = vector.shape_cast %swap3A_203 : vector<1x64x64xf32> to vector<64x64xf32>
    %swap3A_205 = vector.shape_cast %transpose3A_199 : vector<64x64xf32> to vector<1x64x64xf32>
    tpu.vector_store %arg3[%swap3A_200, %swap3A_201, %swap3A_202], %swap3A_205 {strides = array<i32>} : memref<8x64x512xf32, #tpu.memory_space<vmem>>, vector<1x64x64xf32>,
    %get3A_206 = arith.constant 2 : index
    %get3A_207 = arith.constant 128 : index
    %get3A_208 = arith.constant 0 : index
    %get3A_209 = vector.load %arg2[%get3A_206, %get3A_207, %get3A_208] : memref<8x256x128xf32, #tpu.memory_space<vmem>>, vector<1x64x128xf32>
    %get3A_210 = vector.shape_cast %get3A_209 : vector<1x64x128xf32> to vector<64x128xf32>
    %slice3A_211 = vector.extract_strided_slice %get3A_210 {offsets = [0, 0], sizes = [64, 64], strides = [1, 1]} : vector<64x128xf32> to vector<64x64xf32>
    %transpose3A_212 = tpu.transpose %slice3A_211, [1, 0] : vector<64x64xf32> -> vector<64x64xf32>
    %swap3A_213 = arith.constant 2 : index
    %swap3A_214 = arith.constant 0 : index
    %swap3A_215 = arith.constant 256 : index
    %swap3A_216 = vector.load %arg3[%swap3A_213, %swap3A_214, %swap3A_215] : memref<8x64x512xf32, #tpu.memory_space<vmem>>, vector<1x64x64xf32>
    %swap3A_217 = vector.shape_cast %swap3A_216 : vector<1x64x64xf32> to vector<64x64xf32>
    %swap3A_218 = vector.shape_cast %transpose3A_212 : vector<64x64xf32> to vector<1x64x64xf32>
    tpu.vector_store %arg3[%swap3A_213, %swap3A_214, %swap3A_215], %swap3A_218 {strides = array<i32>} : memref<8x64x512xf32, #tpu.memory_space<vmem>>, vector<1x64x64xf32>,
    %slice3A_219 = vector.extract_strided_slice %get3A_210 {offsets = [0, 64], sizes = [64, 64], strides = [1, 1]} : vector<64x128xf32> to vector<64x64xf32>
    %transpose3A_220 = tpu.transpose %slice3A_219, [1, 0] : vector<64x64xf32> -> vector<64x64xf32>
    %swap3A_221 = arith.constant 2 : index
    %swap3A_222 = arith.constant 0 : index
    %swap3A_223 = arith.constant 320 : index
    %swap3A_224 = vector.load %arg3[%swap3A_221, %swap3A_222, %swap3A_223] : memref<8x64x512xf32, #tpu.memory_space<vmem>>, vector<1x64x64xf32>
    %swap3A_225 = vector.shape_cast %swap3A_224 : vector<1x64x64xf32> to vector<64x64xf32>
    %swap3A_226 = vector.shape_cast %transpose3A_220 : vector<64x64xf32> to vector<1x64x64xf32>
    tpu.vector_store %arg3[%swap3A_221, %swap3A_222, %swap3A_223], %swap3A_226 {strides = array<i32>} : memref<8x64x512xf32, #tpu.memory_space<vmem>>, vector<1x64x64xf32>,
    %get3A_227 = arith.constant 2 : index
    %get3A_228 = arith.constant 192 : index
    %get3A_229 = arith.constant 0 : index
    %get3A_230 = vector.load %arg2[%get3A_227, %get3A_228, %get3A_229] : memref<8x256x128xf32, #tpu.memory_space<vmem>>, vector<1x64x128xf32>
    %get3A_231 = vector.shape_cast %get3A_230 : vector<1x64x128xf32> to vector<64x128xf32>
    %slice3A_232 = vector.extract_strided_slice %get3A_231 {offsets = [0, 0], sizes = [64, 64], strides = [1, 1]} : vector<64x128xf32> to vector<64x64xf32>
    %transpose3A_233 = tpu.transpose %slice3A_232, [1, 0] : vector<64x64xf32> -> vector<64x64xf32>
    %swap3A_234 = arith.constant 2 : index
    %swap3A_235 = arith.constant 0 : index
    %swap3A_236 = arith.constant 384 : index
    %swap3A_237 = vector.load %arg3[%swap3A_234, %swap3A_235, %swap3A_236] : memref<8x64x512xf32, #tpu.memory_space<vmem>>, vector<1x64x64xf32>
    %swap3A_238 = vector.shape_cast %swap3A_237 : vector<1x64x64xf32> to vector<64x64xf32>
    %swap3A_239 = vector.shape_cast %transpose3A_233 : vector<64x64xf32> to vector<1x64x64xf32>
    tpu.vector_store %arg3[%swap3A_234, %swap3A_235, %swap3A_236], %swap3A_239 {strides = array<i32>} : memref<8x64x512xf32, #tpu.memory_space<vmem>>, vector<1x64x64xf32>,
    %slice3A_240 = vector.extract_strided_slice %get3A_231 {offsets = [0, 64], sizes = [64, 64], strides = [1, 1]} : vector<64x128xf32> to vector<64x64xf32>
    %transpose3A_241 = tpu.transpose %slice3A_240, [1, 0] : vector<64x64xf32> -> vector<64x64xf32>
    %swap3A_242 = arith.constant 2 : index
    %swap3A_243 = arith.constant 0 : index
    %swap3A_244 = arith.constant 448 : index
    %swap3A_245 = vector.load %arg3[%swap3A_242, %swap3A_243, %swap3A_244] : memref<8x64x512xf32, #tpu.memory_space<vmem>>, vector<1x64x64xf32>
    %swap3A_246 = vector.shape_cast %swap3A_245 : vector<1x64x64xf32> to vector<64x64xf32>
    %swap3A_247 = vector.shape_cast %transpose3A_241 : vector<64x64xf32> to vector<1x64x64xf32>
    tpu.vector_store %arg3[%swap3A_242, %swap3A_243, %swap3A_244], %swap3A_247 {strides = array<i32>} : memref<8x64x512xf32, #tpu.memory_space<vmem>>, vector<1x64x64xf32>,
    %get3A_248 = arith.constant 3 : index
    %get3A_249 = arith.constant 0 : index
    %get3A_250 = arith.constant 0 : index
    %get3A_251 = vector.load %arg2[%get3A_248, %get3A_249, %get3A_250] : memref<8x256x128xf32, #tpu.memory_space<vmem>>, vector<1x64x128xf32>
    %get3A_252 = vector.shape_cast %get3A_251 : vector<1x64x128xf32> to vector<64x128xf32>
    %slice3A_253 = vector.extract_strided_slice %get3A_252 {offsets = [0, 0], sizes = [64, 64], strides = [1, 1]} : vector<64x128xf32> to vector<64x64xf32>
    %transpose3A_254 = tpu.transpose %slice3A_253, [1, 0] : vector<64x64xf32> -> vector<64x64xf32>
    %swap3A_255 = arith.constant 3 : index
    %swap3A_256 = arith.constant 0 : index
    %swap3A_257 = arith.constant 0 : index
    %swap3A_258 = vector.load %arg3[%swap3A_255, %swap3A_256, %swap3A_257] : memref<8x64x512xf32, #tpu.memory_space<vmem>>, vector<1x64x64xf32>
    %swap3A_259 = vector.shape_cast %swap3A_258 : vector<1x64x64xf32> to vector<64x64xf32>
    %swap3A_260 = vector.shape_cast %transpose3A_254 : vector<64x64xf32> to vector<1x64x64xf32>
    tpu.vector_store %arg3[%swap3A_255, %swap3A_256, %swap3A_257], %swap3A_260 {strides = array<i32>} : memref<8x64x512xf32, #tpu.memory_space<vmem>>, vector<1x64x64xf32>,
    %slice3A_261 = vector.extract_strided_slice %get3A_252 {offsets = [0, 64], sizes = [64, 64], strides = [1, 1]} : vector<64x128xf32> to vector<64x64xf32>
    %transpose3A_262 = tpu.transpose %slice3A_261, [1, 0] : vector<64x64xf32> -> vector<64x64xf32>
    %swap3A_263 = arith.constant 3 : index
    %swap3A_264 = arith.constant 0 : index
    %swap3A_265 = arith.constant 64 : index
    %swap3A_266 = vector.load %arg3[%swap3A_263, %swap3A_264, %swap3A_265] : memref<8x64x512xf32, #tpu.memory_space<vmem>>, vector<1x64x64xf32>
    %swap3A_267 = vector.shape_cast %swap3A_266 : vector<1x64x64xf32> to vector<64x64xf32>
    %swap3A_268 = vector.shape_cast %transpose3A_262 : vector<64x64xf32> to vector<1x64x64xf32>
    tpu.vector_store %arg3[%swap3A_263, %swap3A_264, %swap3A_265], %swap3A_268 {strides = array<i32>} : memref<8x64x512xf32, #tpu.memory_space<vmem>>, vector<1x64x64xf32>,
    %get3A_269 = arith.constant 3 : index
    %get3A_270 = arith.constant 64 : index
    %get3A_271 = arith.constant 0 : index
    %get3A_272 = vector.load %arg2[%get3A_269, %get3A_270, %get3A_271] : memref<8x256x128xf32, #tpu.memory_space<vmem>>, vector<1x64x128xf32>
    %get3A_273 = vector.shape_cast %get3A_272 : vector<1x64x128xf32> to vector<64x128xf32>
    %slice3A_274 = vector.extract_strided_slice %get3A_273 {offsets = [0, 0], sizes = [64, 64], strides = [1, 1]} : vector<64x128xf32> to vector<64x64xf32>
    %transpose3A_275 = tpu.transpose %slice3A_274, [1, 0] : vector<64x64xf32> -> vector<64x64xf32>
    %swap3A_276 = arith.constant 3 : index
    %swap3A_277 = arith.constant 0 : index
    %swap3A_278 = arith.constant 128 : index
    %swap3A_279 = vector.load %arg3[%swap3A_276, %swap3A_277, %swap3A_278] : memref<8x64x512xf32, #tpu.memory_space<vmem>>, vector<1x64x64xf32>
    %swap3A_280 = vector.shape_cast %swap3A_279 : vector<1x64x64xf32> to vector<64x64xf32>
    %swap3A_281 = vector.shape_cast %transpose3A_275 : vector<64x64xf32> to vector<1x64x64xf32>
    tpu.vector_store %arg3[%swap3A_276, %swap3A_277, %swap3A_278], %swap3A_281 {strides = array<i32>} : memref<8x64x512xf32, #tpu.memory_space<vmem>>, vector<1x64x64xf32>,
    %slice3A_282 = vector.extract_strided_slice %get3A_273 {offsets = [0, 64], sizes = [64, 64], strides = [1, 1]} : vector<64x128xf32> to vector<64x64xf32>
    %transpose3A_283 = tpu.transpose %slice3A_282, [1, 0] : vector<64x64xf32> -> vector<64x64xf32>
    %swap3A_284 = arith.constant 3 : index
    %swap3A_285 = arith.constant 0 : index
    %swap3A_286 = arith.constant 192 : index
    %swap3A_287 = vector.load %arg3[%swap3A_284, %swap3A_285, %swap3A_286] : memref<8x64x512xf32, #tpu.memory_space<vmem>>, vector<1x64x64xf32>
    %swap3A_288 = vector.shape_cast %swap3A_287 : vector<1x64x64xf32> to vector<64x64xf32>
    %swap3A_289 = vector.shape_cast %transpose3A_283 : vector<64x64xf32> to vector<1x64x64xf32>
    tpu.vector_store %arg3[%swap3A_284, %swap3A_285, %swap3A_286], %swap3A_289 {strides = array<i32>} : memref<8x64x512xf32, #tpu.memory_space<vmem>>, vector<1x64x64xf32>,
    %get3A_290 = arith.constant 3 : index
    %get3A_291 = arith.constant 128 : index
    %get3A_292 = arith.constant 0 : index
    %get3A_293 = vector.load %arg2[%get3A_290, %get3A_291, %get3A_292] : memref<8x256x128xf32, #tpu.memory_space<vmem>>, vector<1x64x128xf32>
    %get3A_294 = vector.shape_cast %get3A_293 : vector<1x64x128xf32> to vector<64x128xf32>
    %slice3A_295 = vector.extract_strided_slice %get3A_294 {offsets = [0, 0], sizes = [64, 64], strides = [1, 1]} : vector<64x128xf32> to vector<64x64xf32>
    %transpose3A_296 = tpu.transpose %slice3A_295, [1, 0] : vector<64x64xf32> -> vector<64x64xf32>
    %swap3A_297 = arith.constant 3 : index
    %swap3A_298 = arith.constant 0 : index
    %swap3A_299 = arith.constant 256 : index
    %swap3A_300 = vector.load %arg3[%swap3A_297, %swap3A_298, %swap3A_299] : memref<8x64x512xf32, #tpu.memory_space<vmem>>, vector<1x64x64xf32>
    %swap3A_301 = vector.shape_cast %swap3A_300 : vector<1x64x64xf32> to vector<64x64xf32>
    %swap3A_302 = vector.shape_cast %transpose3A_296 : vector<64x64xf32> to vector<1x64x64xf32>
    tpu.vector_store %arg3[%swap3A_297, %swap3A_298, %swap3A_299], %swap3A_302 {strides = array<i32>} : memref<8x64x512xf32, #tpu.memory_space<vmem>>, vector<1x64x64xf32>,
    %slice3A_303 = vector.extract_strided_slice %get3A_294 {offsets = [0, 64], sizes = [64, 64], strides = [1, 1]} : vector<64x128xf32> to vector<64x64xf32>
    %transpose3A_304 = tpu.transpose %slice3A_303, [1, 0] : vector<64x64xf32> -> vector<64x64xf32>
    %swap3A_305 = arith.constant 3 : index
    %swap3A_306 = arith.constant 0 : index
    %swap3A_307 = arith.constant 320 : index
    %swap3A_308 = vector.load %arg3[%swap3A_305, %swap3A_306, %swap3A_307] : memref<8x64x512xf32, #tpu.memory_space<vmem>>, vector<1x64x64xf32>
    %swap3A_309 = vector.shape_cast %swap3A_308 : vector<1x64x64xf32> to vector<64x64xf32>
    %swap3A_310 = vector.shape_cast %transpose3A_304 : vector<64x64xf32> to vector<1x64x64xf32>
    tpu.vector_store %arg3[%swap3A_305, %swap3A_306, %swap3A_307], %swap3A_310 {strides = array<i32>} : memref<8x64x512xf32, #tpu.memory_space<vmem>>, vector<1x64x64xf32>,
    %get3A_311 = arith.constant 3 : index
    %get3A_312 = arith.constant 192 : index
    %get3A_313 = arith.constant 0 : index
    %get3A_314 = vector.load %arg2[%get3A_311, %get3A_312, %get3A_313] : memref<8x256x128xf32, #tpu.memory_space<vmem>>, vector<1x64x128xf32>
    %get3A_315 = vector.shape_cast %get3A_314 : vector<1x64x128xf32> to vector<64x128xf32>
    %slice3A_316 = vector.extract_strided_slice %get3A_315 {offsets = [0, 0], sizes = [64, 64], strides = [1, 1]} : vector<64x128xf32> to vector<64x64xf32>
    %transpose3A_317 = tpu.transpose %slice3A_316, [1, 0] : vector<64x64xf32> -> vector<64x64xf32>
    %swap3A_318 = arith.constant 3 : index
    %swap3A_319 = arith.constant 0 : index
    %swap3A_320 = arith.constant 384 : index
    %swap3A_321 = vector.load %arg3[%swap3A_318, %swap3A_319, %swap3A_320] : memref<8x64x512xf32, #tpu.memory_space<vmem>>, vector<1x64x64xf32>
    %swap3A_322 = vector.shape_cast %swap3A_321 : vector<1x64x64xf32> to vector<64x64xf32>
    %swap3A_323 = vector.shape_cast %transpose3A_317 : vector<64x64xf32> to vector<1x64x64xf32>
    tpu.vector_store %arg3[%swap3A_318, %swap3A_319, %swap3A_320], %swap3A_323 {strides = array<i32>} : memref<8x64x512xf32, #tpu.memory_space<vmem>>, vector<1x64x64xf32>,
    %slice3A_324 = vector.extract_strided_slice %get3A_315 {offsets = [0, 64], sizes = [64, 64], strides = [1, 1]} : vector<64x128xf32> to vector<64x64xf32>
    %transpose3A_325 = tpu.transpose %slice3A_324, [1, 0] : vector<64x64xf32> -> vector<64x64xf32>
    %swap3A_326 = arith.constant 3 : index
    %swap3A_327 = arith.constant 0 : index
    %swap3A_328 = arith.constant 448 : index
    %swap3A_329 = vector.load %arg3[%swap3A_326, %swap3A_327, %swap3A_328] : memref<8x64x512xf32, #tpu.memory_space<vmem>>, vector<1x64x64xf32>
    %swap3A_330 = vector.shape_cast %swap3A_329 : vector<1x64x64xf32> to vector<64x64xf32>
    %swap3A_331 = vector.shape_cast %transpose3A_325 : vector<64x64xf32> to vector<1x64x64xf32>
    tpu.vector_store %arg3[%swap3A_326, %swap3A_327, %swap3A_328], %swap3A_331 {strides = array<i32>} : memref<8x64x512xf32, #tpu.memory_space<vmem>>, vector<1x64x64xf32>,
    %get3A_332 = arith.constant 4 : index
    %get3A_333 = arith.constant 0 : index
    %get3A_334 = arith.constant 0 : index
    %get3A_335 = vector.load %arg2[%get3A_332, %get3A_333, %get3A_334] : memref<8x256x128xf32, #tpu.memory_space<vmem>>, vector<1x64x128xf32>
    %get3A_336 = vector.shape_cast %get3A_335 : vector<1x64x128xf32> to vector<64x128xf32>
    %slice3A_337 = vector.extract_strided_slice %get3A_336 {offsets = [0, 0], sizes = [64, 64], strides = [1, 1]} : vector<64x128xf32> to vector<64x64xf32>
    %transpose3A_338 = tpu.transpose %slice3A_337, [1, 0] : vector<64x64xf32> -> vector<64x64xf32>
    %swap3A_339 = arith.constant 4 : index
    %swap3A_340 = arith.constant 0 : index
    %swap3A_341 = arith.constant 0 : index
    %swap3A_342 = vector.load %arg3[%swap3A_339, %swap3A_340, %swap3A_341] : memref<8x64x512xf32, #tpu.memory_space<vmem>>, vector<1x64x64xf32>
    %swap3A_343 = vector.shape_cast %swap3A_342 : vector<1x64x64xf32> to vector<64x64xf32>
    %swap3A_344 = vector.shape_cast %transpose3A_338 : vector<64x64xf32> to vector<1x64x64xf32>
    tpu.vector_store %arg3[%swap3A_339, %swap3A_340, %swap3A_341], %swap3A_344 {strides = array<i32>} : memref<8x64x512xf32, #tpu.memory_space<vmem>>, vector<1x64x64xf32>,
    %slice3A_345 = vector.extract_strided_slice %get3A_336 {offsets = [0, 64], sizes = [64, 64], strides = [1, 1]} : vector<64x128xf32> to vector<64x64xf32>
    %transpose3A_346 = tpu.transpose %slice3A_345, [1, 0] : vector<64x64xf32> -> vector<64x64xf32>
    %swap3A_347 = arith.constant 4 : index
    %swap3A_348 = arith.constant 0 : index
    %swap3A_349 = arith.constant 64 : index
    %swap3A_350 = vector.load %arg3[%swap3A_347, %swap3A_348, %swap3A_349] : memref<8x64x512xf32, #tpu.memory_space<vmem>>, vector<1x64x64xf32>
    %swap3A_351 = vector.shape_cast %swap3A_350 : vector<1x64x64xf32> to vector<64x64xf32>
    %swap3A_352 = vector.shape_cast %transpose3A_346 : vector<64x64xf32> to vector<1x64x64xf32>
    tpu.vector_store %arg3[%swap3A_347, %swap3A_348, %swap3A_349], %swap3A_352 {strides = array<i32>} : memref<8x64x512xf32, #tpu.memory_space<vmem>>, vector<1x64x64xf32>,
    %get3A_353 = arith.constant 4 : index
    %get3A_354 = arith.constant 64 : index
    %get3A_355 = arith.constant 0 : index
    %get3A_356 = vector.load %arg2[%get3A_353, %get3A_354, %get3A_355] : memref<8x256x128xf32, #tpu.memory_space<vmem>>, vector<1x64x128xf32>
    %get3A_357 = vector.shape_cast %get3A_356 : vector<1x64x128xf32> to vector<64x128xf32>
    %slice3A_358 = vector.extract_strided_slice %get3A_357 {offsets = [0, 0], sizes = [64, 64], strides = [1, 1]} : vector<64x128xf32> to vector<64x64xf32>
    %transpose3A_359 = tpu.transpose %slice3A_358, [1, 0] : vector<64x64xf32> -> vector<64x64xf32>
    %swap3A_360 = arith.constant 4 : index
    %swap3A_361 = arith.constant 0 : index
    %swap3A_362 = arith.constant 128 : index
    %swap3A_363 = vector.load %arg3[%swap3A_360, %swap3A_361, %swap3A_362] : memref<8x64x512xf32, #tpu.memory_space<vmem>>, vector<1x64x64xf32>
    %swap3A_364 = vector.shape_cast %swap3A_363 : vector<1x64x64xf32> to vector<64x64xf32>
    %swap3A_365 = vector.shape_cast %transpose3A_359 : vector<64x64xf32> to vector<1x64x64xf32>
    tpu.vector_store %arg3[%swap3A_360, %swap3A_361, %swap3A_362], %swap3A_365 {strides = array<i32>} : memref<8x64x512xf32, #tpu.memory_space<vmem>>, vector<1x64x64xf32>,
    %slice3A_366 = vector.extract_strided_slice %get3A_357 {offsets = [0, 64], sizes = [64, 64], strides = [1, 1]} : vector<64x128xf32> to vector<64x64xf32>
    %transpose3A_367 = tpu.transpose %slice3A_366, [1, 0] : vector<64x64xf32> -> vector<64x64xf32>
    %swap3A_368 = arith.constant 4 : index
    %swap3A_369 = arith.constant 0 : index
    %swap3A_370 = arith.constant 192 : index
    %swap3A_371 = vector.load %arg3[%swap3A_368, %swap3A_369, %swap3A_370] : memref<8x64x512xf32, #tpu.memory_space<vmem>>, vector<1x64x64xf32>
    %swap3A_372 = vector.shape_cast %swap3A_371 : vector<1x64x64xf32> to vector<64x64xf32>
    %swap3A_373 = vector.shape_cast %transpose3A_367 : vector<64x64xf32> to vector<1x64x64xf32>
    tpu.vector_store %arg3[%swap3A_368, %swap3A_369, %swap3A_370], %swap3A_373 {strides = array<i32>} : memref<8x64x512xf32, #tpu.memory_space<vmem>>, vector<1x64x64xf32>,
    %get3A_374 = arith.constant 4 : index
    %get3A_375 = arith.constant 128 : index
    %get3A_376 = arith.constant 0 : index
    %get3A_377 = vector.load %arg2[%get3A_374, %get3A_375, %get3A_376] : memref<8x256x128xf32, #tpu.memory_space<vmem>>, vector<1x64x128xf32>
    %get3A_378 = vector.shape_cast %get3A_377 : vector<1x64x128xf32> to vector<64x128xf32>
    %slice3A_379 = vector.extract_strided_slice %get3A_378 {offsets = [0, 0], sizes = [64, 64], strides = [1, 1]} : vector<64x128xf32> to vector<64x64xf32>
    %transpose3A_380 = tpu.transpose %slice3A_379, [1, 0] : vector<64x64xf32> -> vector<64x64xf32>
    %swap3A_381 = arith.constant 4 : index
    %swap3A_382 = arith.constant 0 : index
    %swap3A_383 = arith.constant 256 : index
    %swap3A_384 = vector.load %arg3[%swap3A_381, %swap3A_382, %swap3A_383] : memref<8x64x512xf32, #tpu.memory_space<vmem>>, vector<1x64x64xf32>
    %swap3A_385 = vector.shape_cast %swap3A_384 : vector<1x64x64xf32> to vector<64x64xf32>
    %swap3A_386 = vector.shape_cast %transpose3A_380 : vector<64x64xf32> to vector<1x64x64xf32>
    tpu.vector_store %arg3[%swap3A_381, %swap3A_382, %swap3A_383], %swap3A_386 {strides = array<i32>} : memref<8x64x512xf32, #tpu.memory_space<vmem>>, vector<1x64x64xf32>,
    %slice3A_387 = vector.extract_strided_slice %get3A_378 {offsets = [0, 64], sizes = [64, 64], strides = [1, 1]} : vector<64x128xf32> to vector<64x64xf32>
    %transpose3A_388 = tpu.transpose %slice3A_387, [1, 0] : vector<64x64xf32> -> vector<64x64xf32>
    %swap3A_389 = arith.constant 4 : index
    %swap3A_390 = arith.constant 0 : index
    %swap3A_391 = arith.constant 320 : index
    %swap3A_392 = vector.load %arg3[%swap3A_389, %swap3A_390, %swap3A_391] : memref<8x64x512xf32, #tpu.memory_space<vmem>>, vector<1x64x64xf32>
    %swap3A_393 = vector.shape_cast %swap3A_392 : vector<1x64x64xf32> to vector<64x64xf32>
    %swap3A_394 = vector.shape_cast %transpose3A_388 : vector<64x64xf32> to vector<1x64x64xf32>
    tpu.vector_store %arg3[%swap3A_389, %swap3A_390, %swap3A_391], %swap3A_394 {strides = array<i32>} : memref<8x64x512xf32, #tpu.memory_space<vmem>>, vector<1x64x64xf32>,
    %get3A_395 = arith.constant 4 : index
    %get3A_396 = arith.constant 192 : index
    %get3A_397 = arith.constant 0 : index
    %get3A_398 = vector.load %arg2[%get3A_395, %get3A_396, %get3A_397] : memref<8x256x128xf32, #tpu.memory_space<vmem>>, vector<1x64x128xf32>
    %get3A_399 = vector.shape_cast %get3A_398 : vector<1x64x128xf32> to vector<64x128xf32>
    %slice3A_400 = vector.extract_strided_slice %get3A_399 {offsets = [0, 0], sizes = [64, 64], strides = [1, 1]} : vector<64x128xf32> to vector<64x64xf32>
    %transpose3A_401 = tpu.transpose %slice3A_400, [1, 0] : vector<64x64xf32> -> vector<64x64xf32>
    %swap3A_402 = arith.constant 4 : index
    %swap3A_403 = arith.constant 0 : index
    %swap3A_404 = arith.constant 384 : index
    %swap3A_405 = vector.load %arg3[%swap3A_402, %swap3A_403, %swap3A_404] : memref<8x64x512xf32, #tpu.memory_space<vmem>>, vector<1x64x64xf32>
    %swap3A_406 = vector.shape_cast %swap3A_405 : vector<1x64x64xf32> to vector<64x64xf32>
    %swap3A_407 = vector.shape_cast %transpose3A_401 : vector<64x64xf32> to vector<1x64x64xf32>
    tpu.vector_store %arg3[%swap3A_402, %swap3A_403, %swap3A_404], %swap3A_407 {strides = array<i32>} : memref<8x64x512xf32, #tpu.memory_space<vmem>>, vector<1x64x64xf32>,
    %slice3A_408 = vector.extract_strided_slice %get3A_399 {offsets = [0, 64], sizes = [64, 64], strides = [1, 1]} : vector<64x128xf32> to vector<64x64xf32>
    %transpose3A_409 = tpu.transpose %slice3A_408, [1, 0] : vector<64x64xf32> -> vector<64x64xf32>
    %swap3A_410 = arith.constant 4 : index
    %swap3A_411 = arith.constant 0 : index
    %swap3A_412 = arith.constant 448 : index
    %swap3A_413 = vector.load %arg3[%swap3A_410, %swap3A_411, %swap3A_412] : memref<8x64x512xf32, #tpu.memory_space<vmem>>, vector<1x64x64xf32>
    %swap3A_414 = vector.shape_cast %swap3A_413 : vector<1x64x64xf32> to vector<64x64xf32>
    %swap3A_415 = vector.shape_cast %transpose3A_409 : vector<64x64xf32> to vector<1x64x64xf32>
    tpu.vector_store %arg3[%swap3A_410, %swap3A_411, %swap3A_412], %swap3A_415 {strides = array<i32>} : memref<8x64x512xf32, #tpu.memory_space<vmem>>, vector<1x64x64xf32>,
    %get3A_416 = arith.constant 5 : index
    %get3A_417 = arith.constant 0 : index
    %get3A_418 = arith.constant 0 : index
    %get3A_419 = vector.load %arg2[%get3A_416, %get3A_417, %get3A_418] : memref<8x256x128xf32, #tpu.memory_space<vmem>>, vector<1x64x128xf32>
    %get3A_420 = vector.shape_cast %get3A_419 : vector<1x64x128xf32> to vector<64x128xf32>
    %slice3A_421 = vector.extract_strided_slice %get3A_420 {offsets = [0, 0], sizes = [64, 64], strides = [1, 1]} : vector<64x128xf32> to vector<64x64xf32>
    %transpose3A_422 = tpu.transpose %slice3A_421, [1, 0] : vector<64x64xf32> -> vector<64x64xf32>
    %swap3A_423 = arith.constant 5 : index
    %swap3A_424 = arith.constant 0 : index
    %swap3A_425 = arith.constant 0 : index
    %swap3A_426 = vector.load %arg3[%swap3A_423, %swap3A_424, %swap3A_425] : memref<8x64x512xf32, #tpu.memory_space<vmem>>, vector<1x64x64xf32>
    %swap3A_427 = vector.shape_cast %swap3A_426 : vector<1x64x64xf32> to vector<64x64xf32>
    %swap3A_428 = vector.shape_cast %transpose3A_422 : vector<64x64xf32> to vector<1x64x64xf32>
    tpu.vector_store %arg3[%swap3A_423, %swap3A_424, %swap3A_425], %swap3A_428 {strides = array<i32>} : memref<8x64x512xf32, #tpu.memory_space<vmem>>, vector<1x64x64xf32>,
    %slice3A_429 = vector.extract_strided_slice %get3A_420 {offsets = [0, 64], sizes = [64, 64], strides = [1, 1]} : vector<64x128xf32> to vector<64x64xf32>
    %transpose3A_430 = tpu.transpose %slice3A_429, [1, 0] : vector<64x64xf32> -> vector<64x64xf32>
    %swap3A_431 = arith.constant 5 : index
    %swap3A_432 = arith.constant 0 : index
    %swap3A_433 = arith.constant 64 : index
    %swap3A_434 = vector.load %arg3[%swap3A_431, %swap3A_432, %swap3A_433] : memref<8x64x512xf32, #tpu.memory_space<vmem>>, vector<1x64x64xf32>
    %swap3A_435 = vector.shape_cast %swap3A_434 : vector<1x64x64xf32> to vector<64x64xf32>
    %swap3A_436 = vector.shape_cast %transpose3A_430 : vector<64x64xf32> to vector<1x64x64xf32>
    tpu.vector_store %arg3[%swap3A_431, %swap3A_432, %swap3A_433], %swap3A_436 {strides = array<i32>} : memref<8x64x512xf32, #tpu.memory_space<vmem>>, vector<1x64x64xf32>,
    %get3A_437 = arith.constant 5 : index
    %get3A_438 = arith.constant 64 : index
    %get3A_439 = arith.constant 0 : index
    %get3A_440 = vector.load %arg2[%get3A_437, %get3A_438, %get3A_439] : memref<8x256x128xf32, #tpu.memory_space<vmem>>, vector<1x64x128xf32>
    %get3A_441 = vector.shape_cast %get3A_440 : vector<1x64x128xf32> to vector<64x128xf32>
    %slice3A_442 = vector.extract_strided_slice %get3A_441 {offsets = [0, 0], sizes = [64, 64], strides = [1, 1]} : vector<64x128xf32> to vector<64x64xf32>
    %transpose3A_443 = tpu.transpose %slice3A_442, [1, 0] : vector<64x64xf32> -> vector<64x64xf32>
    %swap3A_444 = arith.constant 5 : index
    %swap3A_445 = arith.constant 0 : index
    %swap3A_446 = arith.constant 128 : index
    %swap3A_447 = vector.load %arg3[%swap3A_444, %swap3A_445, %swap3A_446] : memref<8x64x512xf32, #tpu.memory_space<vmem>>, vector<1x64x64xf32>
    %swap3A_448 = vector.shape_cast %swap3A_447 : vector<1x64x64xf32> to vector<64x64xf32>
    %swap3A_449 = vector.shape_cast %transpose3A_443 : vector<64x64xf32> to vector<1x64x64xf32>
    tpu.vector_store %arg3[%swap3A_444, %swap3A_445, %swap3A_446], %swap3A_449 {strides = array<i32>} : memref<8x64x512xf32, #tpu.memory_space<vmem>>, vector<1x64x64xf32>,
    %slice3A_450 = vector.extract_strided_slice %get3A_441 {offsets = [0, 64], sizes = [64, 64], strides = [1, 1]} : vector<64x128xf32> to vector<64x64xf32>
    %transpose3A_451 = tpu.transpose %slice3A_450, [1, 0] : vector<64x64xf32> -> vector<64x64xf32>
    %swap3A_452 = arith.constant 5 : index
    %swap3A_453 = arith.constant 0 : index
    %swap3A_454 = arith.constant 192 : index
    %swap3A_455 = vector.load %arg3[%swap3A_452, %swap3A_453, %swap3A_454] : memref<8x64x512xf32, #tpu.memory_space<vmem>>, vector<1x64x64xf32>
    %swap3A_456 = vector.shape_cast %swap3A_455 : vector<1x64x64xf32> to vector<64x64xf32>
    %swap3A_457 = vector.shape_cast %transpose3A_451 : vector<64x64xf32> to vector<1x64x64xf32>
    tpu.vector_store %arg3[%swap3A_452, %swap3A_453, %swap3A_454], %swap3A_457 {strides = array<i32>} : memref<8x64x512xf32, #tpu.memory_space<vmem>>, vector<1x64x64xf32>,
    %get3A_458 = arith.constant 5 : index
    %get3A_459 = arith.constant 128 : index
    %get3A_460 = arith.constant 0 : index
    %get3A_461 = vector.load %arg2[%get3A_458, %get3A_459, %get3A_460] : memref<8x256x128xf32, #tpu.memory_space<vmem>>, vector<1x64x128xf32>
    %get3A_462 = vector.shape_cast %get3A_461 : vector<1x64x128xf32> to vector<64x128xf32>
    %slice3A_463 = vector.extract_strided_slice %get3A_462 {offsets = [0, 0], sizes = [64, 64], strides = [1, 1]} : vector<64x128xf32> to vector<64x64xf32>
    %transpose3A_464 = tpu.transpose %slice3A_463, [1, 0] : vector<64x64xf32> -> vector<64x64xf32>
    %swap3A_465 = arith.constant 5 : index
    %swap3A_466 = arith.constant 0 : index
    %swap3A_467 = arith.constant 256 : index
    %swap3A_468 = vector.load %arg3[%swap3A_465, %swap3A_466, %swap3A_467] : memref<8x64x512xf32, #tpu.memory_space<vmem>>, vector<1x64x64xf32>
    %swap3A_469 = vector.shape_cast %swap3A_468 : vector<1x64x64xf32> to vector<64x64xf32>
    %swap3A_470 = vector.shape_cast %transpose3A_464 : vector<64x64xf32> to vector<1x64x64xf32>
    tpu.vector_store %arg3[%swap3A_465, %swap3A_466, %swap3A_467], %swap3A_470 {strides = array<i32>} : memref<8x64x512xf32, #tpu.memory_space<vmem>>, vector<1x64x64xf32>,
    %slice3A_471 = vector.extract_strided_slice %get3A_462 {offsets = [0, 64], sizes = [64, 64], strides = [1, 1]} : vector<64x128xf32> to vector<64x64xf32>
    %transpose3A_472 = tpu.transpose %slice3A_471, [1, 0] : vector<64x64xf32> -> vector<64x64xf32>
    %swap3A_473 = arith.constant 5 : index
    %swap3A_474 = arith.constant 0 : index
    %swap3A_475 = arith.constant 320 : index
    %swap3A_476 = vector.load %arg3[%swap3A_473, %swap3A_474, %swap3A_475] : memref<8x64x512xf32, #tpu.memory_space<vmem>>, vector<1x64x64xf32>
    %swap3A_477 = vector.shape_cast %swap3A_476 : vector<1x64x64xf32> to vector<64x64xf32>
    %swap3A_478 = vector.shape_cast %transpose3A_472 : vector<64x64xf32> to vector<1x64x64xf32>
    tpu.vector_store %arg3[%swap3A_473, %swap3A_474, %swap3A_475], %swap3A_478 {strides = array<i32>} : memref<8x64x512xf32, #tpu.memory_space<vmem>>, vector<1x64x64xf32>,
    %get3A_479 = arith.constant 5 : index
    %get3A_480 = arith.constant 192 : index
    %get3A_481 = arith.constant 0 : index
    %get3A_482 = vector.load %arg2[%get3A_479, %get3A_480, %get3A_481] : memref<8x256x128xf32, #tpu.memory_space<vmem>>, vector<1x64x128xf32>
    %get3A_483 = vector.shape_cast %get3A_482 : vector<1x64x128xf32> to vector<64x128xf32>
    %slice3A_484 = vector.extract_strided_slice %get3A_483 {offsets = [0, 0], sizes = [64, 64], strides = [1, 1]} : vector<64x128xf32> to vector<64x64xf32>
    %transpose3A_485 = tpu.transpose %slice3A_484, [1, 0] : vector<64x64xf32> -> vector<64x64xf32>
    %swap3A_486 = arith.constant 5 : index
    %swap3A_487 = arith.constant 0 : index
    %swap3A_488 = arith.constant 384 : index
    %swap3A_489 = vector.load %arg3[%swap3A_486, %swap3A_487, %swap3A_488] : memref<8x64x512xf32, #tpu.memory_space<vmem>>, vector<1x64x64xf32>
    %swap3A_490 = vector.shape_cast %swap3A_489 : vector<1x64x64xf32> to vector<64x64xf32>
    %swap3A_491 = vector.shape_cast %transpose3A_485 : vector<64x64xf32> to vector<1x64x64xf32>
    tpu.vector_store %arg3[%swap3A_486, %swap3A_487, %swap3A_488], %swap3A_491 {strides = array<i32>} : memref<8x64x512xf32, #tpu.memory_space<vmem>>, vector<1x64x64xf32>,
    %slice3A_492 = vector.extract_strided_slice %get3A_483 {offsets = [0, 64], sizes = [64, 64], strides = [1, 1]} : vector<64x128xf32> to vector<64x64xf32>
    %transpose3A_493 = tpu.transpose %slice3A_492, [1, 0] : vector<64x64xf32> -> vector<64x64xf32>
    %swap3A_494 = arith.constant 5 : index
    %swap3A_495 = arith.constant 0 : index
    %swap3A_496 = arith.constant 448 : index
    %swap3A_497 = vector.load %arg3[%swap3A_494, %swap3A_495, %swap3A_496] : memref<8x64x512xf32, #tpu.memory_space<vmem>>, vector<1x64x64xf32>
    %swap3A_498 = vector.shape_cast %swap3A_497 : vector<1x64x64xf32> to vector<64x64xf32>
    %swap3A_499 = vector.shape_cast %transpose3A_493 : vector<64x64xf32> to vector<1x64x64xf32>
    tpu.vector_store %arg3[%swap3A_494, %swap3A_495, %swap3A_496], %swap3A_499 {strides = array<i32>} : memref<8x64x512xf32, #tpu.memory_space<vmem>>, vector<1x64x64xf32>,
    %get3A_500 = arith.constant 6 : index
    %get3A_501 = arith.constant 0 : index
    %get3A_502 = arith.constant 0 : index
    %get3A_503 = vector.load %arg2[%get3A_500, %get3A_501, %get3A_502] : memref<8x256x128xf32, #tpu.memory_space<vmem>>, vector<1x64x128xf32>
    %get3A_504 = vector.shape_cast %get3A_503 : vector<1x64x128xf32> to vector<64x128xf32>
    %slice3A_505 = vector.extract_strided_slice %get3A_504 {offsets = [0, 0], sizes = [64, 64], strides = [1, 1]} : vector<64x128xf32> to vector<64x64xf32>
    %transpose3A_506 = tpu.transpose %slice3A_505, [1, 0] : vector<64x64xf32> -> vector<64x64xf32>
    %swap3A_507 = arith.constant 6 : index
    %swap3A_508 = arith.constant 0 : index
    %swap3A_509 = arith.constant 0 : index
    %swap3A_510 = vector.load %arg3[%swap3A_507, %swap3A_508, %swap3A_509] : memref<8x64x512xf32, #tpu.memory_space<vmem>>, vector<1x64x64xf32>
    %swap3A_511 = vector.shape_cast %swap3A_510 : vector<1x64x64xf32> to vector<64x64xf32>
    %swap3A_512 = vector.shape_cast %transpose3A_506 : vector<64x64xf32> to vector<1x64x64xf32>
    tpu.vector_store %arg3[%swap3A_507, %swap3A_508, %swap3A_509], %swap3A_512 {strides = array<i32>} : memref<8x64x512xf32, #tpu.memory_space<vmem>>, vector<1x64x64xf32>,
    %slice3A_513 = vector.extract_strided_slice %get3A_504 {offsets = [0, 64], sizes = [64, 64], strides = [1, 1]} : vector<64x128xf32> to vector<64x64xf32>
    %transpose3A_514 = tpu.transpose %slice3A_513, [1, 0] : vector<64x64xf32> -> vector<64x64xf32>
    %swap3A_515 = arith.constant 6 : index
    %swap3A_516 = arith.constant 0 : index
    %swap3A_517 = arith.constant 64 : index
    %swap3A_518 = vector.load %arg3[%swap3A_515, %swap3A_516, %swap3A_517] : memref<8x64x512xf32, #tpu.memory_space<vmem>>, vector<1x64x64xf32>
    %swap3A_519 = vector.shape_cast %swap3A_518 : vector<1x64x64xf32> to vector<64x64xf32>
    %swap3A_520 = vector.shape_cast %transpose3A_514 : vector<64x64xf32> to vector<1x64x64xf32>
    tpu.vector_store %arg3[%swap3A_515, %swap3A_516, %swap3A_517], %swap3A_520 {strides = array<i32>} : memref<8x64x512xf32, #tpu.memory_space<vmem>>, vector<1x64x64xf32>,
    %get3A_521 = arith.constant 6 : index
    %get3A_522 = arith.constant 64 : index
    %get3A_523 = arith.constant 0 : index
    %get3A_524 = vector.load %arg2[%get3A_521, %get3A_522, %get3A_523] : memref<8x256x128xf32, #tpu.memory_space<vmem>>, vector<1x64x128xf32>
    %get3A_525 = vector.shape_cast %get3A_524 : vector<1x64x128xf32> to vector<64x128xf32>
    %slice3A_526 = vector.extract_strided_slice %get3A_525 {offsets = [0, 0], sizes = [64, 64], strides = [1, 1]} : vector<64x128xf32> to vector<64x64xf32>
    %transpose3A_527 = tpu.transpose %slice3A_526, [1, 0] : vector<64x64xf32> -> vector<64x64xf32>
    %swap3A_528 = arith.constant 6 : index
    %swap3A_529 = arith.constant 0 : index
    %swap3A_530 = arith.constant 128 : index
    %swap3A_531 = vector.load %arg3[%swap3A_528, %swap3A_529, %swap3A_530] : memref<8x64x512xf32, #tpu.memory_space<vmem>>, vector<1x64x64xf32>
    %swap3A_532 = vector.shape_cast %swap3A_531 : vector<1x64x64xf32> to vector<64x64xf32>
    %swap3A_533 = vector.shape_cast %transpose3A_527 : vector<64x64xf32> to vector<1x64x64xf32>
    tpu.vector_store %arg3[%swap3A_528, %swap3A_529, %swap3A_530], %swap3A_533 {strides = array<i32>} : memref<8x64x512xf32, #tpu.memory_space<vmem>>, vector<1x64x64xf32>,
    %slice3A_534 = vector.extract_strided_slice %get3A_525 {offsets = [0, 64], sizes = [64, 64], strides = [1, 1]} : vector<64x128xf32> to vector<64x64xf32>
    %transpose3A_535 = tpu.transpose %slice3A_534, [1, 0] : vector<64x64xf32> -> vector<64x64xf32>
    %swap3A_536 = arith.constant 6 : index
    %swap3A_537 = arith.constant 0 : index
    %swap3A_538 = arith.constant 192 : index
    %swap3A_539 = vector.load %arg3[%swap3A_536, %swap3A_537, %swap3A_538] : memref<8x64x512xf32, #tpu.memory_space<vmem>>, vector<1x64x64xf32>
    %swap3A_540 = vector.shape_cast %swap3A_539 : vector<1x64x64xf32> to vector<64x64xf32>
    %swap3A_541 = vector.shape_cast %transpose3A_535 : vector<64x64xf32> to vector<1x64x64xf32>
    tpu.vector_store %arg3[%swap3A_536, %swap3A_537, %swap3A_538], %swap3A_541 {strides = array<i32>} : memref<8x64x512xf32, #tpu.memory_space<vmem>>, vector<1x64x64xf32>,
    %get3A_542 = arith.constant 6 : index
    %get3A_543 = arith.constant 128 : index
    %get3A_544 = arith.constant 0 : index
    %get3A_545 = vector.load %arg2[%get3A_542, %get3A_543, %get3A_544] : memref<8x256x128xf32, #tpu.memory_space<vmem>>, vector<1x64x128xf32>
    %get3A_546 = vector.shape_cast %get3A_545 : vector<1x64x128xf32> to vector<64x128xf32>
    %slice3A_547 = vector.extract_strided_slice %get3A_546 {offsets = [0, 0], sizes = [64, 64], strides = [1, 1]} : vector<64x128xf32> to vector<64x64xf32>
    %transpose3A_548 = tpu.transpose %slice3A_547, [1, 0] : vector<64x64xf32> -> vector<64x64xf32>
    %swap3A_549 = arith.constant 6 : index
    %swap3A_550 = arith.constant 0 : index
    %swap3A_551 = arith.constant 256 : index
    %swap3A_552 = vector.load %arg3[%swap3A_549, %swap3A_550, %swap3A_551] : memref<8x64x512xf32, #tpu.memory_space<vmem>>, vector<1x64x64xf32>
    %swap3A_553 = vector.shape_cast %swap3A_552 : vector<1x64x64xf32> to vector<64x64xf32>
    %swap3A_554 = vector.shape_cast %transpose3A_548 : vector<64x64xf32> to vector<1x64x64xf32>
    tpu.vector_store %arg3[%swap3A_549, %swap3A_550, %swap3A_551], %swap3A_554 {strides = array<i32>} : memref<8x64x512xf32, #tpu.memory_space<vmem>>, vector<1x64x64xf32>,
    %slice3A_555 = vector.extract_strided_slice %get3A_546 {offsets = [0, 64], sizes = [64, 64], strides = [1, 1]} : vector<64x128xf32> to vector<64x64xf32>
    %transpose3A_556 = tpu.transpose %slice3A_555, [1, 0] : vector<64x64xf32> -> vector<64x64xf32>
    %swap3A_557 = arith.constant 6 : index
    %swap3A_558 = arith.constant 0 : index
    %swap3A_559 = arith.constant 320 : index
    %swap3A_560 = vector.load %arg3[%swap3A_557, %swap3A_558, %swap3A_559] : memref<8x64x512xf32, #tpu.memory_space<vmem>>, vector<1x64x64xf32>
    %swap3A_561 = vector.shape_cast %swap3A_560 : vector<1x64x64xf32> to vector<64x64xf32>
    %swap3A_562 = vector.shape_cast %transpose3A_556 : vector<64x64xf32> to vector<1x64x64xf32>
    tpu.vector_store %arg3[%swap3A_557, %swap3A_558, %swap3A_559], %swap3A_562 {strides = array<i32>} : memref<8x64x512xf32, #tpu.memory_space<vmem>>, vector<1x64x64xf32>,
    %get3A_563 = arith.constant 6 : index
    %get3A_564 = arith.constant 192 : index
    %get3A_565 = arith.constant 0 : index
    %get3A_566 = vector.load %arg2[%get3A_563, %get3A_564, %get3A_565] : memref<8x256x128xf32, #tpu.memory_space<vmem>>, vector<1x64x128xf32>
    %get3A_567 = vector.shape_cast %get3A_566 : vector<1x64x128xf32> to vector<64x128xf32>
    %slice3A_568 = vector.extract_strided_slice %get3A_567 {offsets = [0, 0], sizes = [64, 64], strides = [1, 1]} : vector<64x128xf32> to vector<64x64xf32>
    %transpose3A_569 = tpu.transpose %slice3A_568, [1, 0] : vector<64x64xf32> -> vector<64x64xf32>
    %swap3A_570 = arith.constant 6 : index
    %swap3A_571 = arith.constant 0 : index
    %swap3A_572 = arith.constant 384 : index
    %swap3A_573 = vector.load %arg3[%swap3A_570, %swap3A_571, %swap3A_572] : memref<8x64x512xf32, #tpu.memory_space<vmem>>, vector<1x64x64xf32>
    %swap3A_574 = vector.shape_cast %swap3A_573 : vector<1x64x64xf32> to vector<64x64xf32>
    %swap3A_575 = vector.shape_cast %transpose3A_569 : vector<64x64xf32> to vector<1x64x64xf32>
    tpu.vector_store %arg3[%swap3A_570, %swap3A_571, %swap3A_572], %swap3A_575 {strides = array<i32>} : memref<8x64x512xf32, #tpu.memory_space<vmem>>, vector<1x64x64xf32>,
    %slice3A_576 = vector.extract_strided_slice %get3A_567 {offsets = [0, 64], sizes = [64, 64], strides = [1, 1]} : vector<64x128xf32> to vector<64x64xf32>
    %transpose3A_577 = tpu.transpose %slice3A_576, [1, 0] : vector<64x64xf32> -> vector<64x64xf32>
    %swap3A_578 = arith.constant 6 : index
    %swap3A_579 = arith.constant 0 : index
    %swap3A_580 = arith.constant 448 : index
    %swap3A_581 = vector.load %arg3[%swap3A_578, %swap3A_579, %swap3A_580] : memref<8x64x512xf32, #tpu.memory_space<vmem>>, vector<1x64x64xf32>
    %swap3A_582 = vector.shape_cast %swap3A_581 : vector<1x64x64xf32> to vector<64x64xf32>
    %swap3A_583 = vector.shape_cast %transpose3A_577 : vector<64x64xf32> to vector<1x64x64xf32>
    tpu.vector_store %arg3[%swap3A_578, %swap3A_579, %swap3A_580], %swap3A_583 {strides = array<i32>} : memref<8x64x512xf32, #tpu.memory_space<vmem>>, vector<1x64x64xf32>,
    %get3A_584 = arith.constant 7 : index
    %get3A_585 = arith.constant 0 : index
    %get3A_586 = arith.constant 0 : index
    %get3A_587 = vector.load %arg2[%get3A_584, %get3A_585, %get3A_586] : memref<8x256x128xf32, #tpu.memory_space<vmem>>, vector<1x64x128xf32>
    %get3A_588 = vector.shape_cast %get3A_587 : vector<1x64x128xf32> to vector<64x128xf32>
    %slice3A_589 = vector.extract_strided_slice %get3A_588 {offsets = [0, 0], sizes = [64, 64], strides = [1, 1]} : vector<64x128xf32> to vector<64x64xf32>
    %transpose3A_590 = tpu.transpose %slice3A_589, [1, 0] : vector<64x64xf32> -> vector<64x64xf32>
    %swap3A_591 = arith.constant 7 : index
    %swap3A_592 = arith.constant 0 : index
    %swap3A_593 = arith.constant 0 : index
    %swap3A_594 = vector.load %arg3[%swap3A_591, %swap3A_592, %swap3A_593] : memref<8x64x512xf32, #tpu.memory_space<vmem>>, vector<1x64x64xf32>
    %swap3A_595 = vector.shape_cast %swap3A_594 : vector<1x64x64xf32> to vector<64x64xf32>
    %swap3A_596 = vector.shape_cast %transpose3A_590 : vector<64x64xf32> to vector<1x64x64xf32>
    tpu.vector_store %arg3[%swap3A_591, %swap3A_592, %swap3A_593], %swap3A_596 {strides = array<i32>} : memref<8x64x512xf32, #tpu.memory_space<vmem>>, vector<1x64x64xf32>,
    %slice3A_597 = vector.extract_strided_slice %get3A_588 {offsets = [0, 64], sizes = [64, 64], strides = [1, 1]} : vector<64x128xf32> to vector<64x64xf32>
    %transpose3A_598 = tpu.transpose %slice3A_597, [1, 0] : vector<64x64xf32> -> vector<64x64xf32>
    %swap3A_599 = arith.constant 7 : index
    %swap3A_600 = arith.constant 0 : index
    %swap3A_601 = arith.constant 64 : index
    %swap3A_602 = vector.load %arg3[%swap3A_599, %swap3A_600, %swap3A_601] : memref<8x64x512xf32, #tpu.memory_space<vmem>>, vector<1x64x64xf32>
    %swap3A_603 = vector.shape_cast %swap3A_602 : vector<1x64x64xf32> to vector<64x64xf32>
    %swap3A_604 = vector.shape_cast %transpose3A_598 : vector<64x64xf32> to vector<1x64x64xf32>
    tpu.vector_store %arg3[%swap3A_599, %swap3A_600, %swap3A_601], %swap3A_604 {strides = array<i32>} : memref<8x64x512xf32, #tpu.memory_space<vmem>>, vector<1x64x64xf32>,
    %get3A_605 = arith.constant 7 : index
    %get3A_606 = arith.constant 64 : index
    %get3A_607 = arith.constant 0 : index
    %get3A_608 = vector.load %arg2[%get3A_605, %get3A_606, %get3A_607] : memref<8x256x128xf32, #tpu.memory_space<vmem>>, vector<1x64x128xf32>
    %get3A_609 = vector.shape_cast %get3A_608 : vector<1x64x128xf32> to vector<64x128xf32>
    %slice3A_610 = vector.extract_strided_slice %get3A_609 {offsets = [0, 0], sizes = [64, 64], strides = [1, 1]} : vector<64x128xf32> to vector<64x64xf32>
    %transpose3A_611 = tpu.transpose %slice3A_610, [1, 0] : vector<64x64xf32> -> vector<64x64xf32>
    %swap3A_612 = arith.constant 7 : index
    %swap3A_613 = arith.constant 0 : index
    %swap3A_614 = arith.constant 128 : index
    %swap3A_615 = vector.load %arg3[%swap3A_612, %swap3A_613, %swap3A_614] : memref<8x64x512xf32, #tpu.memory_space<vmem>>, vector<1x64x64xf32>
    %swap3A_616 = vector.shape_cast %swap3A_615 : vector<1x64x64xf32> to vector<64x64xf32>
    %swap3A_617 = vector.shape_cast %transpose3A_611 : vector<64x64xf32> to vector<1x64x64xf32>
    tpu.vector_store %arg3[%swap3A_612, %swap3A_613, %swap3A_614], %swap3A_617 {strides = array<i32>} : memref<8x64x512xf32, #tpu.memory_space<vmem>>, vector<1x64x64xf32>,
    %slice3A_618 = vector.extract_strided_slice %get3A_609 {offsets = [0, 64], sizes = [64, 64], strides = [1, 1]} : vector<64x128xf32> to vector<64x64xf32>
    %transpose3A_619 = tpu.transpose %slice3A_618, [1, 0] : vector<64x64xf32> -> vector<64x64xf32>
    %swap3A_620 = arith.constant 7 : index
    %swap3A_621 = arith.constant 0 : index
    %swap3A_622 = arith.constant 192 : index
    %swap3A_623 = vector.load %arg3[%swap3A_620, %swap3A_621, %swap3A_622] : memref<8x64x512xf32, #tpu.memory_space<vmem>>, vector<1x64x64xf32>
    %swap3A_624 = vector.shape_cast %swap3A_623 : vector<1x64x64xf32> to vector<64x64xf32>
    %swap3A_625 = vector.shape_cast %transpose3A_619 : vector<64x64xf32> to vector<1x64x64xf32>
    tpu.vector_store %arg3[%swap3A_620, %swap3A_621, %swap3A_622], %swap3A_625 {strides = array<i32>} : memref<8x64x512xf32, #tpu.memory_space<vmem>>, vector<1x64x64xf32>,
    %get3A_626 = arith.constant 7 : index
    %get3A_627 = arith.constant 128 : index
    %get3A_628 = arith.constant 0 : index
    %get3A_629 = vector.load %arg2[%get3A_626, %get3A_627, %get3A_628] : memref<8x256x128xf32, #tpu.memory_space<vmem>>, vector<1x64x128xf32>
    %get3A_630 = vector.shape_cast %get3A_629 : vector<1x64x128xf32> to vector<64x128xf32>
    %slice3A_631 = vector.extract_strided_slice %get3A_630 {offsets = [0, 0], sizes = [64, 64], strides = [1, 1]} : vector<64x128xf32> to vector<64x64xf32>
    %transpose3A_632 = tpu.transpose %slice3A_631, [1, 0] : vector<64x64xf32> -> vector<64x64xf32>
    %swap3A_633 = arith.constant 7 : index
    %swap3A_634 = arith.constant 0 : index
    %swap3A_635 = arith.constant 256 : index
    %swap3A_636 = vector.load %arg3[%swap3A_633, %swap3A_634, %swap3A_635] : memref<8x64x512xf32, #tpu.memory_space<vmem>>, vector<1x64x64xf32>
    %swap3A_637 = vector.shape_cast %swap3A_636 : vector<1x64x64xf32> to vector<64x64xf32>
    %swap3A_638 = vector.shape_cast %transpose3A_632 : vector<64x64xf32> to vector<1x64x64xf32>
    tpu.vector_store %arg3[%swap3A_633, %swap3A_634, %swap3A_635], %swap3A_638 {strides = array<i32>} : memref<8x64x512xf32, #tpu.memory_space<vmem>>, vector<1x64x64xf32>,
    %slice3A_639 = vector.extract_strided_slice %get3A_630 {offsets = [0, 64], sizes = [64, 64], strides = [1, 1]} : vector<64x128xf32> to vector<64x64xf32>
    %transpose3A_640 = tpu.transpose %slice3A_639, [1, 0] : vector<64x64xf32> -> vector<64x64xf32>
    %swap3A_641 = arith.constant 7 : index
    %swap3A_642 = arith.constant 0 : index
    %swap3A_643 = arith.constant 320 : index
    %swap3A_644 = vector.load %arg3[%swap3A_641, %swap3A_642, %swap3A_643] : memref<8x64x512xf32, #tpu.memory_space<vmem>>, vector<1x64x64xf32>
    %swap3A_645 = vector.shape_cast %swap3A_644 : vector<1x64x64xf32> to vector<64x64xf32>
    %swap3A_646 = vector.shape_cast %transpose3A_640 : vector<64x64xf32> to vector<1x64x64xf32>
    tpu.vector_store %arg3[%swap3A_641, %swap3A_642, %swap3A_643], %swap3A_646 {strides = array<i32>} : memref<8x64x512xf32, #tpu.memory_space<vmem>>, vector<1x64x64xf32>,
    %get3A_647 = arith.constant 7 : index
    %get3A_648 = arith.constant 192 : index
    %get3A_649 = arith.constant 0 : index
    %get3A_650 = vector.load %arg2[%get3A_647, %get3A_648, %get3A_649] : memref<8x256x128xf32, #tpu.memory_space<vmem>>, vector<1x64x128xf32>
    %get3A_651 = vector.shape_cast %get3A_650 : vector<1x64x128xf32> to vector<64x128xf32>
    %slice3A_652 = vector.extract_strided_slice %get3A_651 {offsets = [0, 0], sizes = [64, 64], strides = [1, 1]} : vector<64x128xf32> to vector<64x64xf32>
    %transpose3A_653 = tpu.transpose %slice3A_652, [1, 0] : vector<64x64xf32> -> vector<64x64xf32>
    %swap3A_654 = arith.constant 7 : index
    %swap3A_655 = arith.constant 0 : index
    %swap3A_656 = arith.constant 384 : index
    %swap3A_657 = vector.load %arg3[%swap3A_654, %swap3A_655, %swap3A_656] : memref<8x64x512xf32, #tpu.memory_space<vmem>>, vector<1x64x64xf32>
    %swap3A_658 = vector.shape_cast %swap3A_657 : vector<1x64x64xf32> to vector<64x64xf32>
    %swap3A_659 = vector.shape_cast %transpose3A_653 : vector<64x64xf32> to vector<1x64x64xf32>
    tpu.vector_store %arg3[%swap3A_654, %swap3A_655, %swap3A_656], %swap3A_659 {strides = array<i32>} : memref<8x64x512xf32, #tpu.memory_space<vmem>>, vector<1x64x64xf32>,
    %slice3A_660 = vector.extract_strided_slice %get3A_651 {offsets = [0, 64], sizes = [64, 64], strides = [1, 1]} : vector<64x128xf32> to vector<64x64xf32>
    %transpose3A_661 = tpu.transpose %slice3A_660, [1, 0] : vector<64x64xf32> -> vector<64x64xf32>
    %swap3A_662 = arith.constant 7 : index
    %swap3A_663 = arith.constant 0 : index
    %swap3A_664 = arith.constant 448 : index
    %swap3A_665 = vector.load %arg3[%swap3A_662, %swap3A_663, %swap3A_664] : memref<8x64x512xf32, #tpu.memory_space<vmem>>, vector<1x64x64xf32>
    %swap3A_666 = vector.shape_cast %swap3A_665 : vector<1x64x64xf32> to vector<64x64xf32>
    %swap3A_667 = vector.shape_cast %transpose3A_661 : vector<64x64xf32> to vector<1x64x64xf32>
    tpu.vector_store %arg3[%swap3A_662, %swap3A_663, %swap3A_664], %swap3A_667 {strides = array<i32>} : memref<8x64x512xf32, #tpu.memory_space<vmem>>, vector<1x64x64xf32>,
    return
  }
  func.func @transform_0(%arg0: i32, %arg1: i32) -> (i32, i32, i32) {
    %c0_i32 = arith.constant 0 : i32
    %c0_i32_0 = arith.constant 0 : i32
    return %arg0, %arg1, %c0_i32 : i32, i32, i32
  }
  func.func @transform_1(%arg0: i32, %arg1: i32) -> (i32, i32, i32) {
    %c0_i32 = arith.constant 0 : i32
    %c0_i32_0 = arith.constant 0 : i32
    return %arg0, %c0_i32, %arg1 : i32, i32, i32
  }
}

module attributes {stable_mosaic.version = 14 : i64} {
  func.func @body(%arg0: i32, %arg1: memref<64x6400xf32, #tpu.memory_space<vmem>>, %arg2: memref<3200x128xf32, #tpu.memory_space<vmem>>) attributes {dimension_semantics = [#tpu.dimension_semantics<arbitrary>], iteration_bounds = array<i64: 157>, scalar_prefetch = 0 : i64, scratch_operands = 0 : i64, tpu.core_type = #tpu.core_type<tc>, window_params = [{transform_indices = @transform_0, window_bounds = array<i64: 64, 6400>}, {transform_indices = @transform_1, window_bounds = array<i64: 3200, 128>}]} {
    %get3A = arith.constant 0 : index
    %get3A_0 = arith.constant 0 : index
    %get3A_1 = vector.load %arg1[%get3A, %get3A_0] : memref<64x6400xf32, #tpu.memory_space<vmem>>, vector<64x6400xf32>
    %mul3A = arith.constant 8.000000e+00 : f32
    %mul3A_2 = vector.broadcast %mul3A : f32 to vector<64x6400xf32>
    %mul3A_3 = arith.mulf %get3A_1, %mul3A_2 : vector<64x6400xf32>
    %transpose3A = tpu.transpose %mul3A_3, [1, 0] : vector<64x6400xf32> -> vector<6400x64xf32>
    %slice3A = vector.extract_strided_slice %transpose3A {offsets = [0, 0], sizes = [64, 64], strides = [1, 1]} : vector<6400x64xf32> to vector<64x64xf32>
    %slice3A_4 = vector.extract_strided_slice %transpose3A {offsets = [64, 0], sizes = [64, 64], strides = [1, 1]} : vector<6400x64xf32> to vector<64x64xf32>
    %concatenate3A = tpu.concatenate %slice3A, %slice3A_4 in 1 : vector<64x64xf32>, vector<64x64xf32> -> vector<64x128xf32>
    %swap3A = arith.constant 0 : index
    %swap3A_5 = arith.constant 0 : index
    %swap3A_6 = vector.load %arg2[%swap3A, %swap3A_5] : memref<3200x128xf32, #tpu.memory_space<vmem>>, vector<64x128xf32>
    tpu.vector_store %arg2[%swap3A, %swap3A_5], %concatenate3A {strides = array<i32>} : memref<3200x128xf32, #tpu.memory_space<vmem>>, vector<64x128xf32>,
    %slice3A_7 = vector.extract_strided_slice %transpose3A {offsets = [128, 0], sizes = [64, 64], strides = [1, 1]} : vector<6400x64xf32> to vector<64x64xf32>
    %slice3A_8 = vector.extract_strided_slice %transpose3A {offsets = [192, 0], sizes = [64, 64], strides = [1, 1]} : vector<6400x64xf32> to vector<64x64xf32>
    %concatenate3A_9 = tpu.concatenate %slice3A_7, %slice3A_8 in 1 : vector<64x64xf32>, vector<64x64xf32> -> vector<64x128xf32>
    %swap3A_10 = arith.constant 64 : index
    %swap3A_11 = arith.constant 0 : index
    %swap3A_12 = vector.load %arg2[%swap3A_10, %swap3A_11] : memref<3200x128xf32, #tpu.memory_space<vmem>>, vector<64x128xf32>
    tpu.vector_store %arg2[%swap3A_10, %swap3A_11], %concatenate3A_9 {strides = array<i32>} : memref<3200x128xf32, #tpu.memory_space<vmem>>, vector<64x128xf32>,
    %slice3A_13 = vector.extract_strided_slice %transpose3A {offsets = [256, 0], sizes = [64, 64], strides = [1, 1]} : vector<6400x64xf32> to vector<64x64xf32>
    %slice3A_14 = vector.extract_strided_slice %transpose3A {offsets = [320, 0], sizes = [64, 64], strides = [1, 1]} : vector<6400x64xf32> to vector<64x64xf32>
    %concatenate3A_15 = tpu.concatenate %slice3A_13, %slice3A_14 in 1 : vector<64x64xf32>, vector<64x64xf32> -> vector<64x128xf32>
    %swap3A_16 = arith.constant 128 : index
    %swap3A_17 = arith.constant 0 : index
    %swap3A_18 = vector.load %arg2[%swap3A_16, %swap3A_17] : memref<3200x128xf32, #tpu.memory_space<vmem>>, vector<64x128xf32>
    tpu.vector_store %arg2[%swap3A_16, %swap3A_17], %concatenate3A_15 {strides = array<i32>} : memref<3200x128xf32, #tpu.memory_space<vmem>>, vector<64x128xf32>,
    %slice3A_19 = vector.extract_strided_slice %transpose3A {offsets = [384, 0], sizes = [64, 64], strides = [1, 1]} : vector<6400x64xf32> to vector<64x64xf32>
    %slice3A_20 = vector.extract_strided_slice %transpose3A {offsets = [448, 0], sizes = [64, 64], strides = [1, 1]} : vector<6400x64xf32> to vector<64x64xf32>
    %concatenate3A_21 = tpu.concatenate %slice3A_19, %slice3A_20 in 1 : vector<64x64xf32>, vector<64x64xf32> -> vector<64x128xf32>
    %swap3A_22 = arith.constant 192 : index
    %swap3A_23 = arith.constant 0 : index
    %swap3A_24 = vector.load %arg2[%swap3A_22, %swap3A_23] : memref<3200x128xf32, #tpu.memory_space<vmem>>, vector<64x128xf32>
    tpu.vector_store %arg2[%swap3A_22, %swap3A_23], %concatenate3A_21 {strides = array<i32>} : memref<3200x128xf32, #tpu.memory_space<vmem>>, vector<64x128xf32>,
    %slice3A_25 = vector.extract_strided_slice %transpose3A {offsets = [512, 0], sizes = [64, 64], strides = [1, 1]} : vector<6400x64xf32> to vector<64x64xf32>
    %slice3A_26 = vector.extract_strided_slice %transpose3A {offsets = [576, 0], sizes = [64, 64], strides = [1, 1]} : vector<6400x64xf32> to vector<64x64xf32>
    %concatenate3A_27 = tpu.concatenate %slice3A_25, %slice3A_26 in 1 : vector<64x64xf32>, vector<64x64xf32> -> vector<64x128xf32>
    %swap3A_28 = arith.constant 256 : index
    %swap3A_29 = arith.constant 0 : index
    %swap3A_30 = vector.load %arg2[%swap3A_28, %swap3A_29] : memref<3200x128xf32, #tpu.memory_space<vmem>>, vector<64x128xf32>
    tpu.vector_store %arg2[%swap3A_28, %swap3A_29], %concatenate3A_27 {strides = array<i32>} : memref<3200x128xf32, #tpu.memory_space<vmem>>, vector<64x128xf32>,
    %slice3A_31 = vector.extract_strided_slice %transpose3A {offsets = [640, 0], sizes = [64, 64], strides = [1, 1]} : vector<6400x64xf32> to vector<64x64xf32>
    %slice3A_32 = vector.extract_strided_slice %transpose3A {offsets = [704, 0], sizes = [64, 64], strides = [1, 1]} : vector<6400x64xf32> to vector<64x64xf32>
    %concatenate3A_33 = tpu.concatenate %slice3A_31, %slice3A_32 in 1 : vector<64x64xf32>, vector<64x64xf32> -> vector<64x128xf32>
    %swap3A_34 = arith.constant 320 : index
    %swap3A_35 = arith.constant 0 : index
    %swap3A_36 = vector.load %arg2[%swap3A_34, %swap3A_35] : memref<3200x128xf32, #tpu.memory_space<vmem>>, vector<64x128xf32>
    tpu.vector_store %arg2[%swap3A_34, %swap3A_35], %concatenate3A_33 {strides = array<i32>} : memref<3200x128xf32, #tpu.memory_space<vmem>>, vector<64x128xf32>,
    %slice3A_37 = vector.extract_strided_slice %transpose3A {offsets = [768, 0], sizes = [64, 64], strides = [1, 1]} : vector<6400x64xf32> to vector<64x64xf32>
    %slice3A_38 = vector.extract_strided_slice %transpose3A {offsets = [832, 0], sizes = [64, 64], strides = [1, 1]} : vector<6400x64xf32> to vector<64x64xf32>
    %concatenate3A_39 = tpu.concatenate %slice3A_37, %slice3A_38 in 1 : vector<64x64xf32>, vector<64x64xf32> -> vector<64x128xf32>
    %swap3A_40 = arith.constant 384 : index
    %swap3A_41 = arith.constant 0 : index
    %swap3A_42 = vector.load %arg2[%swap3A_40, %swap3A_41] : memref<3200x128xf32, #tpu.memory_space<vmem>>, vector<64x128xf32>
    tpu.vector_store %arg2[%swap3A_40, %swap3A_41], %concatenate3A_39 {strides = array<i32>} : memref<3200x128xf32, #tpu.memory_space<vmem>>, vector<64x128xf32>,
    %slice3A_43 = vector.extract_strided_slice %transpose3A {offsets = [896, 0], sizes = [64, 64], strides = [1, 1]} : vector<6400x64xf32> to vector<64x64xf32>
    %slice3A_44 = vector.extract_strided_slice %transpose3A {offsets = [960, 0], sizes = [64, 64], strides = [1, 1]} : vector<6400x64xf32> to vector<64x64xf32>
    %concatenate3A_45 = tpu.concatenate %slice3A_43, %slice3A_44 in 1 : vector<64x64xf32>, vector<64x64xf32> -> vector<64x128xf32>
    %swap3A_46 = arith.constant 448 : index
    %swap3A_47 = arith.constant 0 : index
    %swap3A_48 = vector.load %arg2[%swap3A_46, %swap3A_47] : memref<3200x128xf32, #tpu.memory_space<vmem>>, vector<64x128xf32>
    tpu.vector_store %arg2[%swap3A_46, %swap3A_47], %concatenate3A_45 {strides = array<i32>} : memref<3200x128xf32, #tpu.memory_space<vmem>>, vector<64x128xf32>,
    %slice3A_49 = vector.extract_strided_slice %transpose3A {offsets = [1024, 0], sizes = [64, 64], strides = [1, 1]} : vector<6400x64xf32> to vector<64x64xf32>
    %slice3A_50 = vector.extract_strided_slice %transpose3A {offsets = [1088, 0], sizes = [64, 64], strides = [1, 1]} : vector<6400x64xf32> to vector<64x64xf32>
    %concatenate3A_51 = tpu.concatenate %slice3A_49, %slice3A_50 in 1 : vector<64x64xf32>, vector<64x64xf32> -> vector<64x128xf32>
    %swap3A_52 = arith.constant 512 : index
    %swap3A_53 = arith.constant 0 : index
    %swap3A_54 = vector.load %arg2[%swap3A_52, %swap3A_53] : memref<3200x128xf32, #tpu.memory_space<vmem>>, vector<64x128xf32>
    tpu.vector_store %arg2[%swap3A_52, %swap3A_53], %concatenate3A_51 {strides = array<i32>} : memref<3200x128xf32, #tpu.memory_space<vmem>>, vector<64x128xf32>,
    %slice3A_55 = vector.extract_strided_slice %transpose3A {offsets = [1152, 0], sizes = [64, 64], strides = [1, 1]} : vector<6400x64xf32> to vector<64x64xf32>
    %slice3A_56 = vector.extract_strided_slice %transpose3A {offsets = [1216, 0], sizes = [64, 64], strides = [1, 1]} : vector<6400x64xf32> to vector<64x64xf32>
    %concatenate3A_57 = tpu.concatenate %slice3A_55, %slice3A_56 in 1 : vector<64x64xf32>, vector<64x64xf32> -> vector<64x128xf32>
    %swap3A_58 = arith.constant 576 : index
    %swap3A_59 = arith.constant 0 : index
    %swap3A_60 = vector.load %arg2[%swap3A_58, %swap3A_59] : memref<3200x128xf32, #tpu.memory_space<vmem>>, vector<64x128xf32>
    tpu.vector_store %arg2[%swap3A_58, %swap3A_59], %concatenate3A_57 {strides = array<i32>} : memref<3200x128xf32, #tpu.memory_space<vmem>>, vector<64x128xf32>,
    %slice3A_61 = vector.extract_strided_slice %transpose3A {offsets = [1280, 0], sizes = [64, 64], strides = [1, 1]} : vector<6400x64xf32> to vector<64x64xf32>
    %slice3A_62 = vector.extract_strided_slice %transpose3A {offsets = [1344, 0], sizes = [64, 64], strides = [1, 1]} : vector<6400x64xf32> to vector<64x64xf32>
    %concatenate3A_63 = tpu.concatenate %slice3A_61, %slice3A_62 in 1 : vector<64x64xf32>, vector<64x64xf32> -> vector<64x128xf32>
    %swap3A_64 = arith.constant 640 : index
    %swap3A_65 = arith.constant 0 : index
    %swap3A_66 = vector.load %arg2[%swap3A_64, %swap3A_65] : memref<3200x128xf32, #tpu.memory_space<vmem>>, vector<64x128xf32>
    tpu.vector_store %arg2[%swap3A_64, %swap3A_65], %concatenate3A_63 {strides = array<i32>} : memref<3200x128xf32, #tpu.memory_space<vmem>>, vector<64x128xf32>,
    %slice3A_67 = vector.extract_strided_slice %transpose3A {offsets = [1408, 0], sizes = [64, 64], strides = [1, 1]} : vector<6400x64xf32> to vector<64x64xf32>
    %slice3A_68 = vector.extract_strided_slice %transpose3A {offsets = [1472, 0], sizes = [64, 64], strides = [1, 1]} : vector<6400x64xf32> to vector<64x64xf32>
    %concatenate3A_69 = tpu.concatenate %slice3A_67, %slice3A_68 in 1 : vector<64x64xf32>, vector<64x64xf32> -> vector<64x128xf32>
    %swap3A_70 = arith.constant 704 : index
    %swap3A_71 = arith.constant 0 : index
    %swap3A_72 = vector.load %arg2[%swap3A_70, %swap3A_71] : memref<3200x128xf32, #tpu.memory_space<vmem>>, vector<64x128xf32>
    tpu.vector_store %arg2[%swap3A_70, %swap3A_71], %concatenate3A_69 {strides = array<i32>} : memref<3200x128xf32, #tpu.memory_space<vmem>>, vector<64x128xf32>,
    %slice3A_73 = vector.extract_strided_slice %transpose3A {offsets = [1536, 0], sizes = [64, 64], strides = [1, 1]} : vector<6400x64xf32> to vector<64x64xf32>
    %slice3A_74 = vector.extract_strided_slice %transpose3A {offsets = [1600, 0], sizes = [64, 64], strides = [1, 1]} : vector<6400x64xf32> to vector<64x64xf32>
    %concatenate3A_75 = tpu.concatenate %slice3A_73, %slice3A_74 in 1 : vector<64x64xf32>, vector<64x64xf32> -> vector<64x128xf32>
    %swap3A_76 = arith.constant 768 : index
    %swap3A_77 = arith.constant 0 : index
    %swap3A_78 = vector.load %arg2[%swap3A_76, %swap3A_77] : memref<3200x128xf32, #tpu.memory_space<vmem>>, vector<64x128xf32>
    tpu.vector_store %arg2[%swap3A_76, %swap3A_77], %concatenate3A_75 {strides = array<i32>} : memref<3200x128xf32, #tpu.memory_space<vmem>>, vector<64x128xf32>,
    %slice3A_79 = vector.extract_strided_slice %transpose3A {offsets = [1664, 0], sizes = [64, 64], strides = [1, 1]} : vector<6400x64xf32> to vector<64x64xf32>
    %slice3A_80 = vector.extract_strided_slice %transpose3A {offsets = [1728, 0], sizes = [64, 64], strides = [1, 1]} : vector<6400x64xf32> to vector<64x64xf32>
    %concatenate3A_81 = tpu.concatenate %slice3A_79, %slice3A_80 in 1 : vector<64x64xf32>, vector<64x64xf32> -> vector<64x128xf32>
    %swap3A_82 = arith.constant 832 : index
    %swap3A_83 = arith.constant 0 : index
    %swap3A_84 = vector.load %arg2[%swap3A_82, %swap3A_83] : memref<3200x128xf32, #tpu.memory_space<vmem>>, vector<64x128xf32>
    tpu.vector_store %arg2[%swap3A_82, %swap3A_83], %concatenate3A_81 {strides = array<i32>} : memref<3200x128xf32, #tpu.memory_space<vmem>>, vector<64x128xf32>,
    %slice3A_85 = vector.extract_strided_slice %transpose3A {offsets = [1792, 0], sizes = [64, 64], strides = [1, 1]} : vector<6400x64xf32> to vector<64x64xf32>
    %slice3A_86 = vector.extract_strided_slice %transpose3A {offsets = [1856, 0], sizes = [64, 64], strides = [1, 1]} : vector<6400x64xf32> to vector<64x64xf32>
    %concatenate3A_87 = tpu.concatenate %slice3A_85, %slice3A_86 in 1 : vector<64x64xf32>, vector<64x64xf32> -> vector<64x128xf32>
    %swap3A_88 = arith.constant 896 : index
    %swap3A_89 = arith.constant 0 : index
    %swap3A_90 = vector.load %arg2[%swap3A_88, %swap3A_89] : memref<3200x128xf32, #tpu.memory_space<vmem>>, vector<64x128xf32>
    tpu.vector_store %arg2[%swap3A_88, %swap3A_89], %concatenate3A_87 {strides = array<i32>} : memref<3200x128xf32, #tpu.memory_space<vmem>>, vector<64x128xf32>,
    %slice3A_91 = vector.extract_strided_slice %transpose3A {offsets = [1920, 0], sizes = [64, 64], strides = [1, 1]} : vector<6400x64xf32> to vector<64x64xf32>
    %slice3A_92 = vector.extract_strided_slice %transpose3A {offsets = [1984, 0], sizes = [64, 64], strides = [1, 1]} : vector<6400x64xf32> to vector<64x64xf32>
    %concatenate3A_93 = tpu.concatenate %slice3A_91, %slice3A_92 in 1 : vector<64x64xf32>, vector<64x64xf32> -> vector<64x128xf32>
    %swap3A_94 = arith.constant 960 : index
    %swap3A_95 = arith.constant 0 : index
    %swap3A_96 = vector.load %arg2[%swap3A_94, %swap3A_95] : memref<3200x128xf32, #tpu.memory_space<vmem>>, vector<64x128xf32>
    tpu.vector_store %arg2[%swap3A_94, %swap3A_95], %concatenate3A_93 {strides = array<i32>} : memref<3200x128xf32, #tpu.memory_space<vmem>>, vector<64x128xf32>,
    %slice3A_97 = vector.extract_strided_slice %transpose3A {offsets = [2048, 0], sizes = [64, 64], strides = [1, 1]} : vector<6400x64xf32> to vector<64x64xf32>
    %slice3A_98 = vector.extract_strided_slice %transpose3A {offsets = [2112, 0], sizes = [64, 64], strides = [1, 1]} : vector<6400x64xf32> to vector<64x64xf32>
    %concatenate3A_99 = tpu.concatenate %slice3A_97, %slice3A_98 in 1 : vector<64x64xf32>, vector<64x64xf32> -> vector<64x128xf32>
    %swap3A_100 = arith.constant 1024 : index
    %swap3A_101 = arith.constant 0 : index
    %swap3A_102 = vector.load %arg2[%swap3A_100, %swap3A_101] : memref<3200x128xf32, #tpu.memory_space<vmem>>, vector<64x128xf32>
    tpu.vector_store %arg2[%swap3A_100, %swap3A_101], %concatenate3A_99 {strides = array<i32>} : memref<3200x128xf32, #tpu.memory_space<vmem>>, vector<64x128xf32>,
    %slice3A_103 = vector.extract_strided_slice %transpose3A {offsets = [2176, 0], sizes = [64, 64], strides = [1, 1]} : vector<6400x64xf32> to vector<64x64xf32>
    %slice3A_104 = vector.extract_strided_slice %transpose3A {offsets = [2240, 0], sizes = [64, 64], strides = [1, 1]} : vector<6400x64xf32> to vector<64x64xf32>
    %concatenate3A_105 = tpu.concatenate %slice3A_103, %slice3A_104 in 1 : vector<64x64xf32>, vector<64x64xf32> -> vector<64x128xf32>
    %swap3A_106 = arith.constant 1088 : index
    %swap3A_107 = arith.constant 0 : index
    %swap3A_108 = vector.load %arg2[%swap3A_106, %swap3A_107] : memref<3200x128xf32, #tpu.memory_space<vmem>>, vector<64x128xf32>
    tpu.vector_store %arg2[%swap3A_106, %swap3A_107], %concatenate3A_105 {strides = array<i32>} : memref<3200x128xf32, #tpu.memory_space<vmem>>, vector<64x128xf32>,
    %slice3A_109 = vector.extract_strided_slice %transpose3A {offsets = [2304, 0], sizes = [64, 64], strides = [1, 1]} : vector<6400x64xf32> to vector<64x64xf32>
    %slice3A_110 = vector.extract_strided_slice %transpose3A {offsets = [2368, 0], sizes = [64, 64], strides = [1, 1]} : vector<6400x64xf32> to vector<64x64xf32>
    %concatenate3A_111 = tpu.concatenate %slice3A_109, %slice3A_110 in 1 : vector<64x64xf32>, vector<64x64xf32> -> vector<64x128xf32>
    %swap3A_112 = arith.constant 1152 : index
    %swap3A_113 = arith.constant 0 : index
    %swap3A_114 = vector.load %arg2[%swap3A_112, %swap3A_113] : memref<3200x128xf32, #tpu.memory_space<vmem>>, vector<64x128xf32>
    tpu.vector_store %arg2[%swap3A_112, %swap3A_113], %concatenate3A_111 {strides = array<i32>} : memref<3200x128xf32, #tpu.memory_space<vmem>>, vector<64x128xf32>,
    %slice3A_115 = vector.extract_strided_slice %transpose3A {offsets = [2432, 0], sizes = [64, 64], strides = [1, 1]} : vector<6400x64xf32> to vector<64x64xf32>
    %slice3A_116 = vector.extract_strided_slice %transpose3A {offsets = [2496, 0], sizes = [64, 64], strides = [1, 1]} : vector<6400x64xf32> to vector<64x64xf32>
    %concatenate3A_117 = tpu.concatenate %slice3A_115, %slice3A_116 in 1 : vector<64x64xf32>, vector<64x64xf32> -> vector<64x128xf32>
    %swap3A_118 = arith.constant 1216 : index
    %swap3A_119 = arith.constant 0 : index
    %swap3A_120 = vector.load %arg2[%swap3A_118, %swap3A_119] : memref<3200x128xf32, #tpu.memory_space<vmem>>, vector<64x128xf32>
    tpu.vector_store %arg2[%swap3A_118, %swap3A_119], %concatenate3A_117 {strides = array<i32>} : memref<3200x128xf32, #tpu.memory_space<vmem>>, vector<64x128xf32>,
    %slice3A_121 = vector.extract_strided_slice %transpose3A {offsets = [2560, 0], sizes = [64, 64], strides = [1, 1]} : vector<6400x64xf32> to vector<64x64xf32>
    %slice3A_122 = vector.extract_strided_slice %transpose3A {offsets = [2624, 0], sizes = [64, 64], strides = [1, 1]} : vector<6400x64xf32> to vector<64x64xf32>
    %concatenate3A_123 = tpu.concatenate %slice3A_121, %slice3A_122 in 1 : vector<64x64xf32>, vector<64x64xf32> -> vector<64x128xf32>
    %swap3A_124 = arith.constant 1280 : index
    %swap3A_125 = arith.constant 0 : index
    %swap3A_126 = vector.load %arg2[%swap3A_124, %swap3A_125] : memref<3200x128xf32, #tpu.memory_space<vmem>>, vector<64x128xf32>
    tpu.vector_store %arg2[%swap3A_124, %swap3A_125], %concatenate3A_123 {strides = array<i32>} : memref<3200x128xf32, #tpu.memory_space<vmem>>, vector<64x128xf32>,
    %slice3A_127 = vector.extract_strided_slice %transpose3A {offsets = [2688, 0], sizes = [64, 64], strides = [1, 1]} : vector<6400x64xf32> to vector<64x64xf32>
    %slice3A_128 = vector.extract_strided_slice %transpose3A {offsets = [2752, 0], sizes = [64, 64], strides = [1, 1]} : vector<6400x64xf32> to vector<64x64xf32>
    %concatenate3A_129 = tpu.concatenate %slice3A_127, %slice3A_128 in 1 : vector<64x64xf32>, vector<64x64xf32> -> vector<64x128xf32>
    %swap3A_130 = arith.constant 1344 : index
    %swap3A_131 = arith.constant 0 : index
    %swap3A_132 = vector.load %arg2[%swap3A_130, %swap3A_131] : memref<3200x128xf32, #tpu.memory_space<vmem>>, vector<64x128xf32>
    tpu.vector_store %arg2[%swap3A_130, %swap3A_131], %concatenate3A_129 {strides = array<i32>} : memref<3200x128xf32, #tpu.memory_space<vmem>>, vector<64x128xf32>,
    %slice3A_133 = vector.extract_strided_slice %transpose3A {offsets = [2816, 0], sizes = [64, 64], strides = [1, 1]} : vector<6400x64xf32> to vector<64x64xf32>
    %slice3A_134 = vector.extract_strided_slice %transpose3A {offsets = [2880, 0], sizes = [64, 64], strides = [1, 1]} : vector<6400x64xf32> to vector<64x64xf32>
    %concatenate3A_135 = tpu.concatenate %slice3A_133, %slice3A_134 in 1 : vector<64x64xf32>, vector<64x64xf32> -> vector<64x128xf32>
    %swap3A_136 = arith.constant 1408 : index
    %swap3A_137 = arith.constant 0 : index
    %swap3A_138 = vector.load %arg2[%swap3A_136, %swap3A_137] : memref<3200x128xf32, #tpu.memory_space<vmem>>, vector<64x128xf32>
    tpu.vector_store %arg2[%swap3A_136, %swap3A_137], %concatenate3A_135 {strides = array<i32>} : memref<3200x128xf32, #tpu.memory_space<vmem>>, vector<64x128xf32>,
    %slice3A_139 = vector.extract_strided_slice %transpose3A {offsets = [2944, 0], sizes = [64, 64], strides = [1, 1]} : vector<6400x64xf32> to vector<64x64xf32>
    %slice3A_140 = vector.extract_strided_slice %transpose3A {offsets = [3008, 0], sizes = [64, 64], strides = [1, 1]} : vector<6400x64xf32> to vector<64x64xf32>
    %concatenate3A_141 = tpu.concatenate %slice3A_139, %slice3A_140 in 1 : vector<64x64xf32>, vector<64x64xf32> -> vector<64x128xf32>
    %swap3A_142 = arith.constant 1472 : index
    %swap3A_143 = arith.constant 0 : index
    %swap3A_144 = vector.load %arg2[%swap3A_142, %swap3A_143] : memref<3200x128xf32, #tpu.memory_space<vmem>>, vector<64x128xf32>
    tpu.vector_store %arg2[%swap3A_142, %swap3A_143], %concatenate3A_141 {strides = array<i32>} : memref<3200x128xf32, #tpu.memory_space<vmem>>, vector<64x128xf32>,
    %slice3A_145 = vector.extract_strided_slice %transpose3A {offsets = [3072, 0], sizes = [64, 64], strides = [1, 1]} : vector<6400x64xf32> to vector<64x64xf32>
    %slice3A_146 = vector.extract_strided_slice %transpose3A {offsets = [3136, 0], sizes = [64, 64], strides = [1, 1]} : vector<6400x64xf32> to vector<64x64xf32>
    %concatenate3A_147 = tpu.concatenate %slice3A_145, %slice3A_146 in 1 : vector<64x64xf32>, vector<64x64xf32> -> vector<64x128xf32>
    %swap3A_148 = arith.constant 1536 : index
    %swap3A_149 = arith.constant 0 : index
    %swap3A_150 = vector.load %arg2[%swap3A_148, %swap3A_149] : memref<3200x128xf32, #tpu.memory_space<vmem>>, vector<64x128xf32>
    tpu.vector_store %arg2[%swap3A_148, %swap3A_149], %concatenate3A_147 {strides = array<i32>} : memref<3200x128xf32, #tpu.memory_space<vmem>>, vector<64x128xf32>,
    %slice3A_151 = vector.extract_strided_slice %transpose3A {offsets = [3200, 0], sizes = [64, 64], strides = [1, 1]} : vector<6400x64xf32> to vector<64x64xf32>
    %slice3A_152 = vector.extract_strided_slice %transpose3A {offsets = [3264, 0], sizes = [64, 64], strides = [1, 1]} : vector<6400x64xf32> to vector<64x64xf32>
    %concatenate3A_153 = tpu.concatenate %slice3A_151, %slice3A_152 in 1 : vector<64x64xf32>, vector<64x64xf32> -> vector<64x128xf32>
    %swap3A_154 = arith.constant 1600 : index
    %swap3A_155 = arith.constant 0 : index
    %swap3A_156 = vector.load %arg2[%swap3A_154, %swap3A_155] : memref<3200x128xf32, #tpu.memory_space<vmem>>, vector<64x128xf32>
    tpu.vector_store %arg2[%swap3A_154, %swap3A_155], %concatenate3A_153 {strides = array<i32>} : memref<3200x128xf32, #tpu.memory_space<vmem>>, vector<64x128xf32>,
    %slice3A_157 = vector.extract_strided_slice %transpose3A {offsets = [3328, 0], sizes = [64, 64], strides = [1, 1]} : vector<6400x64xf32> to vector<64x64xf32>
    %slice3A_158 = vector.extract_strided_slice %transpose3A {offsets = [3392, 0], sizes = [64, 64], strides = [1, 1]} : vector<6400x64xf32> to vector<64x64xf32>
    %concatenate3A_159 = tpu.concatenate %slice3A_157, %slice3A_158 in 1 : vector<64x64xf32>, vector<64x64xf32> -> vector<64x128xf32>
    %swap3A_160 = arith.constant 1664 : index
    %swap3A_161 = arith.constant 0 : index
    %swap3A_162 = vector.load %arg2[%swap3A_160, %swap3A_161] : memref<3200x128xf32, #tpu.memory_space<vmem>>, vector<64x128xf32>
    tpu.vector_store %arg2[%swap3A_160, %swap3A_161], %concatenate3A_159 {strides = array<i32>} : memref<3200x128xf32, #tpu.memory_space<vmem>>, vector<64x128xf32>,
    %slice3A_163 = vector.extract_strided_slice %transpose3A {offsets = [3456, 0], sizes = [64, 64], strides = [1, 1]} : vector<6400x64xf32> to vector<64x64xf32>
    %slice3A_164 = vector.extract_strided_slice %transpose3A {offsets = [3520, 0], sizes = [64, 64], strides = [1, 1]} : vector<6400x64xf32> to vector<64x64xf32>
    %concatenate3A_165 = tpu.concatenate %slice3A_163, %slice3A_164 in 1 : vector<64x64xf32>, vector<64x64xf32> -> vector<64x128xf32>
    %swap3A_166 = arith.constant 1728 : index
    %swap3A_167 = arith.constant 0 : index
    %swap3A_168 = vector.load %arg2[%swap3A_166, %swap3A_167] : memref<3200x128xf32, #tpu.memory_space<vmem>>, vector<64x128xf32>
    tpu.vector_store %arg2[%swap3A_166, %swap3A_167], %concatenate3A_165 {strides = array<i32>} : memref<3200x128xf32, #tpu.memory_space<vmem>>, vector<64x128xf32>,
    %slice3A_169 = vector.extract_strided_slice %transpose3A {offsets = [3584, 0], sizes = [64, 64], strides = [1, 1]} : vector<6400x64xf32> to vector<64x64xf32>
    %slice3A_170 = vector.extract_strided_slice %transpose3A {offsets = [3648, 0], sizes = [64, 64], strides = [1, 1]} : vector<6400x64xf32> to vector<64x64xf32>
    %concatenate3A_171 = tpu.concatenate %slice3A_169, %slice3A_170 in 1 : vector<64x64xf32>, vector<64x64xf32> -> vector<64x128xf32>
    %swap3A_172 = arith.constant 1792 : index
    %swap3A_173 = arith.constant 0 : index
    %swap3A_174 = vector.load %arg2[%swap3A_172, %swap3A_173] : memref<3200x128xf32, #tpu.memory_space<vmem>>, vector<64x128xf32>
    tpu.vector_store %arg2[%swap3A_172, %swap3A_173], %concatenate3A_171 {strides = array<i32>} : memref<3200x128xf32, #tpu.memory_space<vmem>>, vector<64x128xf32>,
    %slice3A_175 = vector.extract_strided_slice %transpose3A {offsets = [3712, 0], sizes = [64, 64], strides = [1, 1]} : vector<6400x64xf32> to vector<64x64xf32>
    %slice3A_176 = vector.extract_strided_slice %transpose3A {offsets = [3776, 0], sizes = [64, 64], strides = [1, 1]} : vector<6400x64xf32> to vector<64x64xf32>
    %concatenate3A_177 = tpu.concatenate %slice3A_175, %slice3A_176 in 1 : vector<64x64xf32>, vector<64x64xf32> -> vector<64x128xf32>
    %swap3A_178 = arith.constant 1856 : index
    %swap3A_179 = arith.constant 0 : index
    %swap3A_180 = vector.load %arg2[%swap3A_178, %swap3A_179] : memref<3200x128xf32, #tpu.memory_space<vmem>>, vector<64x128xf32>
    tpu.vector_store %arg2[%swap3A_178, %swap3A_179], %concatenate3A_177 {strides = array<i32>} : memref<3200x128xf32, #tpu.memory_space<vmem>>, vector<64x128xf32>,
    %slice3A_181 = vector.extract_strided_slice %transpose3A {offsets = [3840, 0], sizes = [64, 64], strides = [1, 1]} : vector<6400x64xf32> to vector<64x64xf32>
    %slice3A_182 = vector.extract_strided_slice %transpose3A {offsets = [3904, 0], sizes = [64, 64], strides = [1, 1]} : vector<6400x64xf32> to vector<64x64xf32>
    %concatenate3A_183 = tpu.concatenate %slice3A_181, %slice3A_182 in 1 : vector<64x64xf32>, vector<64x64xf32> -> vector<64x128xf32>
    %swap3A_184 = arith.constant 1920 : index
    %swap3A_185 = arith.constant 0 : index
    %swap3A_186 = vector.load %arg2[%swap3A_184, %swap3A_185] : memref<3200x128xf32, #tpu.memory_space<vmem>>, vector<64x128xf32>
    tpu.vector_store %arg2[%swap3A_184, %swap3A_185], %concatenate3A_183 {strides = array<i32>} : memref<3200x128xf32, #tpu.memory_space<vmem>>, vector<64x128xf32>,
    %slice3A_187 = vector.extract_strided_slice %transpose3A {offsets = [3968, 0], sizes = [64, 64], strides = [1, 1]} : vector<6400x64xf32> to vector<64x64xf32>
    %slice3A_188 = vector.extract_strided_slice %transpose3A {offsets = [4032, 0], sizes = [64, 64], strides = [1, 1]} : vector<6400x64xf32> to vector<64x64xf32>
    %concatenate3A_189 = tpu.concatenate %slice3A_187, %slice3A_188 in 1 : vector<64x64xf32>, vector<64x64xf32> -> vector<64x128xf32>
    %swap3A_190 = arith.constant 1984 : index
    %swap3A_191 = arith.constant 0 : index
    %swap3A_192 = vector.load %arg2[%swap3A_190, %swap3A_191] : memref<3200x128xf32, #tpu.memory_space<vmem>>, vector<64x128xf32>
    tpu.vector_store %arg2[%swap3A_190, %swap3A_191], %concatenate3A_189 {strides = array<i32>} : memref<3200x128xf32, #tpu.memory_space<vmem>>, vector<64x128xf32>,
    %slice3A_193 = vector.extract_strided_slice %transpose3A {offsets = [4096, 0], sizes = [64, 64], strides = [1, 1]} : vector<6400x64xf32> to vector<64x64xf32>
    %slice3A_194 = vector.extract_strided_slice %transpose3A {offsets = [4160, 0], sizes = [64, 64], strides = [1, 1]} : vector<6400x64xf32> to vector<64x64xf32>
    %concatenate3A_195 = tpu.concatenate %slice3A_193, %slice3A_194 in 1 : vector<64x64xf32>, vector<64x64xf32> -> vector<64x128xf32>
    %swap3A_196 = arith.constant 2048 : index
    %swap3A_197 = arith.constant 0 : index
    %swap3A_198 = vector.load %arg2[%swap3A_196, %swap3A_197] : memref<3200x128xf32, #tpu.memory_space<vmem>>, vector<64x128xf32>
    tpu.vector_store %arg2[%swap3A_196, %swap3A_197], %concatenate3A_195 {strides = array<i32>} : memref<3200x128xf32, #tpu.memory_space<vmem>>, vector<64x128xf32>,
    %slice3A_199 = vector.extract_strided_slice %transpose3A {offsets = [4224, 0], sizes = [64, 64], strides = [1, 1]} : vector<6400x64xf32> to vector<64x64xf32>
    %slice3A_200 = vector.extract_strided_slice %transpose3A {offsets = [4288, 0], sizes = [64, 64], strides = [1, 1]} : vector<6400x64xf32> to vector<64x64xf32>
    %concatenate3A_201 = tpu.concatenate %slice3A_199, %slice3A_200 in 1 : vector<64x64xf32>, vector<64x64xf32> -> vector<64x128xf32>
    %swap3A_202 = arith.constant 2112 : index
    %swap3A_203 = arith.constant 0 : index
    %swap3A_204 = vector.load %arg2[%swap3A_202, %swap3A_203] : memref<3200x128xf32, #tpu.memory_space<vmem>>, vector<64x128xf32>
    tpu.vector_store %arg2[%swap3A_202, %swap3A_203], %concatenate3A_201 {strides = array<i32>} : memref<3200x128xf32, #tpu.memory_space<vmem>>, vector<64x128xf32>,
    %slice3A_205 = vector.extract_strided_slice %transpose3A {offsets = [4352, 0], sizes = [64, 64], strides = [1, 1]} : vector<6400x64xf32> to vector<64x64xf32>
    %slice3A_206 = vector.extract_strided_slice %transpose3A {offsets = [4416, 0], sizes = [64, 64], strides = [1, 1]} : vector<6400x64xf32> to vector<64x64xf32>
    %concatenate3A_207 = tpu.concatenate %slice3A_205, %slice3A_206 in 1 : vector<64x64xf32>, vector<64x64xf32> -> vector<64x128xf32>
    %swap3A_208 = arith.constant 2176 : index
    %swap3A_209 = arith.constant 0 : index
    %swap3A_210 = vector.load %arg2[%swap3A_208, %swap3A_209] : memref<3200x128xf32, #tpu.memory_space<vmem>>, vector<64x128xf32>
    tpu.vector_store %arg2[%swap3A_208, %swap3A_209], %concatenate3A_207 {strides = array<i32>} : memref<3200x128xf32, #tpu.memory_space<vmem>>, vector<64x128xf32>,
    %slice3A_211 = vector.extract_strided_slice %transpose3A {offsets = [4480, 0], sizes = [64, 64], strides = [1, 1]} : vector<6400x64xf32> to vector<64x64xf32>
    %slice3A_212 = vector.extract_strided_slice %transpose3A {offsets = [4544, 0], sizes = [64, 64], strides = [1, 1]} : vector<6400x64xf32> to vector<64x64xf32>
    %concatenate3A_213 = tpu.concatenate %slice3A_211, %slice3A_212 in 1 : vector<64x64xf32>, vector<64x64xf32> -> vector<64x128xf32>
    %swap3A_214 = arith.constant 2240 : index
    %swap3A_215 = arith.constant 0 : index
    %swap3A_216 = vector.load %arg2[%swap3A_214, %swap3A_215] : memref<3200x128xf32, #tpu.memory_space<vmem>>, vector<64x128xf32>
    tpu.vector_store %arg2[%swap3A_214, %swap3A_215], %concatenate3A_213 {strides = array<i32>} : memref<3200x128xf32, #tpu.memory_space<vmem>>, vector<64x128xf32>,
    %slice3A_217 = vector.extract_strided_slice %transpose3A {offsets = [4608, 0], sizes = [64, 64], strides = [1, 1]} : vector<6400x64xf32> to vector<64x64xf32>
    %slice3A_218 = vector.extract_strided_slice %transpose3A {offsets = [4672, 0], sizes = [64, 64], strides = [1, 1]} : vector<6400x64xf32> to vector<64x64xf32>
    %concatenate3A_219 = tpu.concatenate %slice3A_217, %slice3A_218 in 1 : vector<64x64xf32>, vector<64x64xf32> -> vector<64x128xf32>
    %swap3A_220 = arith.constant 2304 : index
    %swap3A_221 = arith.constant 0 : index
    %swap3A_222 = vector.load %arg2[%swap3A_220, %swap3A_221] : memref<3200x128xf32, #tpu.memory_space<vmem>>, vector<64x128xf32>
    tpu.vector_store %arg2[%swap3A_220, %swap3A_221], %concatenate3A_219 {strides = array<i32>} : memref<3200x128xf32, #tpu.memory_space<vmem>>, vector<64x128xf32>,
    %slice3A_223 = vector.extract_strided_slice %transpose3A {offsets = [4736, 0], sizes = [64, 64], strides = [1, 1]} : vector<6400x64xf32> to vector<64x64xf32>
    %slice3A_224 = vector.extract_strided_slice %transpose3A {offsets = [4800, 0], sizes = [64, 64], strides = [1, 1]} : vector<6400x64xf32> to vector<64x64xf32>
    %concatenate3A_225 = tpu.concatenate %slice3A_223, %slice3A_224 in 1 : vector<64x64xf32>, vector<64x64xf32> -> vector<64x128xf32>
    %swap3A_226 = arith.constant 2368 : index
    %swap3A_227 = arith.constant 0 : index
    %swap3A_228 = vector.load %arg2[%swap3A_226, %swap3A_227] : memref<3200x128xf32, #tpu.memory_space<vmem>>, vector<64x128xf32>
    tpu.vector_store %arg2[%swap3A_226, %swap3A_227], %concatenate3A_225 {strides = array<i32>} : memref<3200x128xf32, #tpu.memory_space<vmem>>, vector<64x128xf32>,
    %slice3A_229 = vector.extract_strided_slice %transpose3A {offsets = [4864, 0], sizes = [64, 64], strides = [1, 1]} : vector<6400x64xf32> to vector<64x64xf32>
    %slice3A_230 = vector.extract_strided_slice %transpose3A {offsets = [4928, 0], sizes = [64, 64], strides = [1, 1]} : vector<6400x64xf32> to vector<64x64xf32>
    %concatenate3A_231 = tpu.concatenate %slice3A_229, %slice3A_230 in 1 : vector<64x64xf32>, vector<64x64xf32> -> vector<64x128xf32>
    %swap3A_232 = arith.constant 2432 : index
    %swap3A_233 = arith.constant 0 : index
    %swap3A_234 = vector.load %arg2[%swap3A_232, %swap3A_233] : memref<3200x128xf32, #tpu.memory_space<vmem>>, vector<64x128xf32>
    tpu.vector_store %arg2[%swap3A_232, %swap3A_233], %concatenate3A_231 {strides = array<i32>} : memref<3200x128xf32, #tpu.memory_space<vmem>>, vector<64x128xf32>,
    %slice3A_235 = vector.extract_strided_slice %transpose3A {offsets = [4992, 0], sizes = [64, 64], strides = [1, 1]} : vector<6400x64xf32> to vector<64x64xf32>
    %slice3A_236 = vector.extract_strided_slice %transpose3A {offsets = [5056, 0], sizes = [64, 64], strides = [1, 1]} : vector<6400x64xf32> to vector<64x64xf32>
    %concatenate3A_237 = tpu.concatenate %slice3A_235, %slice3A_236 in 1 : vector<64x64xf32>, vector<64x64xf32> -> vector<64x128xf32>
    %swap3A_238 = arith.constant 2496 : index
    %swap3A_239 = arith.constant 0 : index
    %swap3A_240 = vector.load %arg2[%swap3A_238, %swap3A_239] : memref<3200x128xf32, #tpu.memory_space<vmem>>, vector<64x128xf32>
    tpu.vector_store %arg2[%swap3A_238, %swap3A_239], %concatenate3A_237 {strides = array<i32>} : memref<3200x128xf32, #tpu.memory_space<vmem>>, vector<64x128xf32>,
    %slice3A_241 = vector.extract_strided_slice %transpose3A {offsets = [5120, 0], sizes = [64, 64], strides = [1, 1]} : vector<6400x64xf32> to vector<64x64xf32>
    %slice3A_242 = vector.extract_strided_slice %transpose3A {offsets = [5184, 0], sizes = [64, 64], strides = [1, 1]} : vector<6400x64xf32> to vector<64x64xf32>
    %concatenate3A_243 = tpu.concatenate %slice3A_241, %slice3A_242 in 1 : vector<64x64xf32>, vector<64x64xf32> -> vector<64x128xf32>
    %swap3A_244 = arith.constant 2560 : index
    %swap3A_245 = arith.constant 0 : index
    %swap3A_246 = vector.load %arg2[%swap3A_244, %swap3A_245] : memref<3200x128xf32, #tpu.memory_space<vmem>>, vector<64x128xf32>
    tpu.vector_store %arg2[%swap3A_244, %swap3A_245], %concatenate3A_243 {strides = array<i32>} : memref<3200x128xf32, #tpu.memory_space<vmem>>, vector<64x128xf32>,
    %slice3A_247 = vector.extract_strided_slice %transpose3A {offsets = [5248, 0], sizes = [64, 64], strides = [1, 1]} : vector<6400x64xf32> to vector<64x64xf32>
    %slice3A_248 = vector.extract_strided_slice %transpose3A {offsets = [5312, 0], sizes = [64, 64], strides = [1, 1]} : vector<6400x64xf32> to vector<64x64xf32>
    %concatenate3A_249 = tpu.concatenate %slice3A_247, %slice3A_248 in 1 : vector<64x64xf32>, vector<64x64xf32> -> vector<64x128xf32>
    %swap3A_250 = arith.constant 2624 : index
    %swap3A_251 = arith.constant 0 : index
    %swap3A_252 = vector.load %arg2[%swap3A_250, %swap3A_251] : memref<3200x128xf32, #tpu.memory_space<vmem>>, vector<64x128xf32>
    tpu.vector_store %arg2[%swap3A_250, %swap3A_251], %concatenate3A_249 {strides = array<i32>} : memref<3200x128xf32, #tpu.memory_space<vmem>>, vector<64x128xf32>,
    %slice3A_253 = vector.extract_strided_slice %transpose3A {offsets = [5376, 0], sizes = [64, 64], strides = [1, 1]} : vector<6400x64xf32> to vector<64x64xf32>
    %slice3A_254 = vector.extract_strided_slice %transpose3A {offsets = [5440, 0], sizes = [64, 64], strides = [1, 1]} : vector<6400x64xf32> to vector<64x64xf32>
    %concatenate3A_255 = tpu.concatenate %slice3A_253, %slice3A_254 in 1 : vector<64x64xf32>, vector<64x64xf32> -> vector<64x128xf32>
    %swap3A_256 = arith.constant 2688 : index
    %swap3A_257 = arith.constant 0 : index
    %swap3A_258 = vector.load %arg2[%swap3A_256, %swap3A_257] : memref<3200x128xf32, #tpu.memory_space<vmem>>, vector<64x128xf32>
    tpu.vector_store %arg2[%swap3A_256, %swap3A_257], %concatenate3A_255 {strides = array<i32>} : memref<3200x128xf32, #tpu.memory_space<vmem>>, vector<64x128xf32>,
    %slice3A_259 = vector.extract_strided_slice %transpose3A {offsets = [5504, 0], sizes = [64, 64], strides = [1, 1]} : vector<6400x64xf32> to vector<64x64xf32>
    %slice3A_260 = vector.extract_strided_slice %transpose3A {offsets = [5568, 0], sizes = [64, 64], strides = [1, 1]} : vector<6400x64xf32> to vector<64x64xf32>
    %concatenate3A_261 = tpu.concatenate %slice3A_259, %slice3A_260 in 1 : vector<64x64xf32>, vector<64x64xf32> -> vector<64x128xf32>
    %swap3A_262 = arith.constant 2752 : index
    %swap3A_263 = arith.constant 0 : index
    %swap3A_264 = vector.load %arg2[%swap3A_262, %swap3A_263] : memref<3200x128xf32, #tpu.memory_space<vmem>>, vector<64x128xf32>
    tpu.vector_store %arg2[%swap3A_262, %swap3A_263], %concatenate3A_261 {strides = array<i32>} : memref<3200x128xf32, #tpu.memory_space<vmem>>, vector<64x128xf32>,
    %slice3A_265 = vector.extract_strided_slice %transpose3A {offsets = [5632, 0], sizes = [64, 64], strides = [1, 1]} : vector<6400x64xf32> to vector<64x64xf32>
    %slice3A_266 = vector.extract_strided_slice %transpose3A {offsets = [5696, 0], sizes = [64, 64], strides = [1, 1]} : vector<6400x64xf32> to vector<64x64xf32>
    %concatenate3A_267 = tpu.concatenate %slice3A_265, %slice3A_266 in 1 : vector<64x64xf32>, vector<64x64xf32> -> vector<64x128xf32>
    %swap3A_268 = arith.constant 2816 : index
    %swap3A_269 = arith.constant 0 : index
    %swap3A_270 = vector.load %arg2[%swap3A_268, %swap3A_269] : memref<3200x128xf32, #tpu.memory_space<vmem>>, vector<64x128xf32>
    tpu.vector_store %arg2[%swap3A_268, %swap3A_269], %concatenate3A_267 {strides = array<i32>} : memref<3200x128xf32, #tpu.memory_space<vmem>>, vector<64x128xf32>,
    %slice3A_271 = vector.extract_strided_slice %transpose3A {offsets = [5760, 0], sizes = [64, 64], strides = [1, 1]} : vector<6400x64xf32> to vector<64x64xf32>
    %slice3A_272 = vector.extract_strided_slice %transpose3A {offsets = [5824, 0], sizes = [64, 64], strides = [1, 1]} : vector<6400x64xf32> to vector<64x64xf32>
    %concatenate3A_273 = tpu.concatenate %slice3A_271, %slice3A_272 in 1 : vector<64x64xf32>, vector<64x64xf32> -> vector<64x128xf32>
    %swap3A_274 = arith.constant 2880 : index
    %swap3A_275 = arith.constant 0 : index
    %swap3A_276 = vector.load %arg2[%swap3A_274, %swap3A_275] : memref<3200x128xf32, #tpu.memory_space<vmem>>, vector<64x128xf32>
    tpu.vector_store %arg2[%swap3A_274, %swap3A_275], %concatenate3A_273 {strides = array<i32>} : memref<3200x128xf32, #tpu.memory_space<vmem>>, vector<64x128xf32>,
    %slice3A_277 = vector.extract_strided_slice %transpose3A {offsets = [5888, 0], sizes = [64, 64], strides = [1, 1]} : vector<6400x64xf32> to vector<64x64xf32>
    %slice3A_278 = vector.extract_strided_slice %transpose3A {offsets = [5952, 0], sizes = [64, 64], strides = [1, 1]} : vector<6400x64xf32> to vector<64x64xf32>
    %concatenate3A_279 = tpu.concatenate %slice3A_277, %slice3A_278 in 1 : vector<64x64xf32>, vector<64x64xf32> -> vector<64x128xf32>
    %swap3A_280 = arith.constant 2944 : index
    %swap3A_281 = arith.constant 0 : index
    %swap3A_282 = vector.load %arg2[%swap3A_280, %swap3A_281] : memref<3200x128xf32, #tpu.memory_space<vmem>>, vector<64x128xf32>
    tpu.vector_store %arg2[%swap3A_280, %swap3A_281], %concatenate3A_279 {strides = array<i32>} : memref<3200x128xf32, #tpu.memory_space<vmem>>, vector<64x128xf32>,
    %slice3A_283 = vector.extract_strided_slice %transpose3A {offsets = [6016, 0], sizes = [64, 64], strides = [1, 1]} : vector<6400x64xf32> to vector<64x64xf32>
    %slice3A_284 = vector.extract_strided_slice %transpose3A {offsets = [6080, 0], sizes = [64, 64], strides = [1, 1]} : vector<6400x64xf32> to vector<64x64xf32>
    %concatenate3A_285 = tpu.concatenate %slice3A_283, %slice3A_284 in 1 : vector<64x64xf32>, vector<64x64xf32> -> vector<64x128xf32>
    %swap3A_286 = arith.constant 3008 : index
    %swap3A_287 = arith.constant 0 : index
    %swap3A_288 = vector.load %arg2[%swap3A_286, %swap3A_287] : memref<3200x128xf32, #tpu.memory_space<vmem>>, vector<64x128xf32>
    tpu.vector_store %arg2[%swap3A_286, %swap3A_287], %concatenate3A_285 {strides = array<i32>} : memref<3200x128xf32, #tpu.memory_space<vmem>>, vector<64x128xf32>,
    %slice3A_289 = vector.extract_strided_slice %transpose3A {offsets = [6144, 0], sizes = [64, 64], strides = [1, 1]} : vector<6400x64xf32> to vector<64x64xf32>
    %slice3A_290 = vector.extract_strided_slice %transpose3A {offsets = [6208, 0], sizes = [64, 64], strides = [1, 1]} : vector<6400x64xf32> to vector<64x64xf32>
    %concatenate3A_291 = tpu.concatenate %slice3A_289, %slice3A_290 in 1 : vector<64x64xf32>, vector<64x64xf32> -> vector<64x128xf32>
    %swap3A_292 = arith.constant 3072 : index
    %swap3A_293 = arith.constant 0 : index
    %swap3A_294 = vector.load %arg2[%swap3A_292, %swap3A_293] : memref<3200x128xf32, #tpu.memory_space<vmem>>, vector<64x128xf32>
    tpu.vector_store %arg2[%swap3A_292, %swap3A_293], %concatenate3A_291 {strides = array<i32>} : memref<3200x128xf32, #tpu.memory_space<vmem>>, vector<64x128xf32>,
    %slice3A_295 = vector.extract_strided_slice %transpose3A {offsets = [6272, 0], sizes = [64, 64], strides = [1, 1]} : vector<6400x64xf32> to vector<64x64xf32>
    %slice3A_296 = vector.extract_strided_slice %transpose3A {offsets = [6336, 0], sizes = [64, 64], strides = [1, 1]} : vector<6400x64xf32> to vector<64x64xf32>
    %concatenate3A_297 = tpu.concatenate %slice3A_295, %slice3A_296 in 1 : vector<64x64xf32>, vector<64x64xf32> -> vector<64x128xf32>
    %swap3A_298 = arith.constant 3136 : index
    %swap3A_299 = arith.constant 0 : index
    %swap3A_300 = vector.load %arg2[%swap3A_298, %swap3A_299] : memref<3200x128xf32, #tpu.memory_space<vmem>>, vector<64x128xf32>
    tpu.vector_store %arg2[%swap3A_298, %swap3A_299], %concatenate3A_297 {strides = array<i32>} : memref<3200x128xf32, #tpu.memory_space<vmem>>, vector<64x128xf32>,
    return
  }
  func.func @transform_0(%arg0: i32) -> (i32, i32) {
    %c0_i32 = arith.constant 0 : i32
    %c0_i32_0 = arith.constant 0 : i32
    return %c0_i32, %arg0 : i32, i32
  }
  func.func @transform_1(%arg0: i32) -> (i32, i32) {
    %c0_i32 = arith.constant 0 : i32
    %c0_i32_0 = arith.constant 0 : i32
    return %arg0, %c0_i32 : i32, i32
  }
}

module attributes {stable_mosaic.version = 14 : i64} {
  func.func @body(%arg0: i32, %arg1: memref<200x128xi32, #tpu.memory_space<vmem>>, %arg2: memref<200x128xi32, #tpu.memory_space<vmem>>) attributes {dimension_semantics = [#tpu.dimension_semantics<arbitrary>], iteration_bounds = array<i64: 32>, scalar_prefetch = 0 : i64, scratch_operands = 0 : i64, tpu.core_type = #tpu.core_type<tc>, window_params = [{transform_indices = @transform_0, window_bounds = array<i64: 200, 128>}, {transform_indices = @transform_1, window_bounds = array<i64: 200, 128>}]} {
    %get3A = arith.constant 0 : index
    %get3A_0 = arith.constant 0 : index
    %get3A_1 = vector.load %arg1[%get3A, %get3A_0] : memref<200x128xi32, #tpu.memory_space<vmem>>, vector<200x128xi32>
    %shift_right_arithmetic3A = arith.constant 7 : i32
    %shift_right_arithmetic3A_2 = vector.broadcast %shift_right_arithmetic3A : i32 to vector<200x128xi32>
    %shift_right_arithmetic3A_3 = arith.shrsi %get3A_1, %shift_right_arithmetic3A_2 : vector<200x128xi32>
    %mul3A = arith.constant 128 : i32
    %mul3A_4 = vector.broadcast %mul3A : i32 to vector<200x128xi32>
    %mul3A_5 = arith.muli %mul3A_4, %shift_right_arithmetic3A_3 : vector<200x128xi32>
    %and3A = arith.constant 63 : i32
    %and3A_6 = vector.broadcast %and3A : i32 to vector<200x128xi32>
    %and3A_7 = arith.andi %get3A_1, %and3A_6 : vector<200x128xi32>
    %mul3A_8 = arith.constant 2 : i32
    %mul3A_9 = vector.broadcast %mul3A_8 : i32 to vector<200x128xi32>
    %mul3A_10 = arith.muli %mul3A_9, %and3A_7 : vector<200x128xi32>
    %add3A = arith.addi %mul3A_5, %mul3A_10 : vector<200x128xi32>
    %shift_right_arithmetic3A_11 = arith.constant 6 : i32
    %shift_right_arithmetic3A_12 = vector.broadcast %shift_right_arithmetic3A_11 : i32 to vector<200x128xi32>
    %shift_right_arithmetic3A_13 = arith.shrsi %get3A_1, %shift_right_arithmetic3A_12 : vector<200x128xi32>
    %and3A_14 = arith.constant 1 : i32
    %and3A_15 = vector.broadcast %and3A_14 : i32 to vector<200x128xi32>
    %and3A_16 = arith.andi %shift_right_arithmetic3A_13, %and3A_15 : vector<200x128xi32>
    %add3A_17 = arith.addi %add3A, %and3A_16 : vector<200x128xi32>
    %iota3A = tpu.iota {dimensions = array<i32: 0>} : vector<128x128xi32>
    %iota3A_18 = tpu.iota {dimensions = array<i32: 1>} : vector<128x128xi32>
    %and3A_19 = arith.constant 63 : i32
    %and3A_20 = vector.broadcast %and3A_19 : i32 to vector<128x128xi32>
    %and3A_21 = arith.andi %iota3A, %and3A_20 : vector<128x128xi32>
    %mul3A_22 = arith.constant 2 : i32
    %mul3A_23 = vector.broadcast %mul3A_22 : i32 to vector<128x128xi32>
    %mul3A_24 = arith.muli %mul3A_23, %and3A_21 : vector<128x128xi32>
    %shift_right_arithmetic3A_25 = arith.constant 6 : i32
    %shift_right_arithmetic3A_26 = vector.broadcast %shift_right_arithmetic3A_25 : i32 to vector<128x128xi32>
    %shift_right_arithmetic3A_27 = arith.shrsi %iota3A, %shift_right_arithmetic3A_26 : vector<128x128xi32>
    %and3A_28 = arith.constant 1 : i32
    %and3A_29 = vector.broadcast %and3A_28 : i32 to vector<128x128xi32>
    %and3A_30 = arith.andi %shift_right_arithmetic3A_27, %and3A_29 : vector<128x128xi32>
    %add3A_31 = arith.addi %mul3A_24, %and3A_30 : vector<128x128xi32>
    %eq3A = arith.cmpi eq, %iota3A_18, %add3A_31 : vector<128x128xi32>
    %convert_element_type3A = arith.extui %eq3A : vector<128x128xi1> to vector<128x128xi32>
    %convert_element_type3A_32 = arith.sitofp %convert_element_type3A : vector<128x128xi32> to vector<128x128xf32>
    %convert_element_type3A_33 = arith.sitofp %add3A_17 : vector<200x128xi32> to vector<200x128xf32>
    %dot_general3A = arith.constant dense<0.000000e+00> : vector<200x128xf32>
    %dot_general3A_34 = tpu.matmul %convert_element_type3A_33, %convert_element_type3A_32, %dot_general3A {dimension_numbers = #tpu.dot_dimension_numbers<[1], [0], [0], [1], [0, 0, 1, 1], [], []>, precision = #tpu.contract_precision<fp32>, transpose_lhs_hint = false} : vector<200x128xf32>, vector<128x128xf32>, vector<200x128xf32> -> vector<200x128xf32>
    %convert_element_type3A_35 = arith.fptosi %dot_general3A_34 : vector<200x128xf32> to vector<200x128xi32>
    %swap3A = arith.constant 0 : index
    %swap3A_36 = arith.constant 0 : index
    %swap3A_37 = vector.load %arg2[%swap3A, %swap3A_36] : memref<200x128xi32, #tpu.memory_space<vmem>>, vector<200x128xi32>
    tpu.vector_store %arg2[%swap3A, %swap3A_36], %convert_element_type3A_35 {strides = array<i32>} : memref<200x128xi32, #tpu.memory_space<vmem>>, vector<200x128xi32>,
    return
  }
  func.func @transform_0(%arg0: i32) -> (i32, i32) {
    %c0_i32 = arith.constant 0 : i32
    %c0_i32_0 = arith.constant 0 : i32
    return %c0_i32, %arg0 : i32, i32
  }
  func.func @transform_1(%arg0: i32) -> (i32, i32) {
    %c0_i32 = arith.constant 0 : i32
    %c0_i32_0 = arith.constant 0 : i32
    return %c0_i32, %arg0 : i32, i32
  }
}

</mosaic_0001>

<sc_bundles>
// kernel: kernel.6.cloned.1.call-start
scs
__scs_entry_jumppad:
0x0: {  	(pc) =	sbr.rel $0x88, $3  }
0x1: {  	(tag) =	ssettag $0x0;
	lr =	simm.s32 $0x1  }
0x2: {  	[smem:$0x3F9F] =	sst lr;
	_ =	strace $0xD0000000  }
0x3: {  	_ = 	snop  }
0x4: {  	_ = 	snop  }
0x5: {  	_ = 	snop  }
0x6: {  	_ = 	snop  }
0x7: {  	_ = 	snop  }
__scs_overlays_trampoline_lowered:
0x8: {  	[smem:$0x3FAE] =	sst s0  }
0x9: {  	[smem:$0x3FAF] =	sst s1  }
0xa: {  	[smem:$0x3FB0] =	sst s2  }
0xb: {  	[smem:$0x3FB1] =	sst s3  }
0xc: {  	[smem:$0x3FB2] =	sst s4  }
0xd: {  	[smem:$0x3FB3] =	sst s5  }
0xe: {  	[smem:$0x3FB4] =	sst s6  }
0xf: {  	[smem:$0x3FB5] =	sst s7  }
0x10: {  	[smem:$0x3FB6] =	sst s8  }
0x11: {  	[smem:$0x3FB7] =	sst s9;
	s0 =	simm.s32 @!p0 $0x0  }
0x12: {  	s1 =	sld [smem:$0x3F9D];
	s0 =	simm.s32 @p0 $0x1  }
0x13: {  	[smem:$0x3FB8] =	sst s0;
	s0 =	simm.s32 @!p1 $0x0  }
0x14: {  	s2 =	sld [smem:$0x3F9C];
	s0 =	simm.s32 @p1 $0x1  }
0x15: {  	[smem:$0x3FB9] =	sst s0;
	s0 =	simm.s32 @!p2 $0x0  }
0x16: {  	s3 =	sld [smem:$0x3FDB];
	s0 =	simm.s32 @p2 $0x1  }
0x17: {  	s4 =	simm.s32 $0x1BF5;
	[smem:$0x3FBB] =	sst s0  }
0x18: {  	s0 =	sld [smem:$0x3F9E];
	_ =	swait.ge [sflag:s4], $0x0  }
0x19: {  	s7 =	sld [smem:$0x3F9F]  }
0x1a: {  	s8 =	sadd.s32 $0xFFFFE003, lr  }
0x1b: {  	s9 =	sadd.s32 $0xFFFFFEF7, lr;
	s5 =	simm.s32 $0xFFFFFFFF;
	p2 =	slt.u32 s8, $0xFFFFF086  }
0x1c: {  	p1 =	slt.u32 s9, $0xF7A;
	s5 =	simm.s32 @!p2 $0x0  }
0x1d: {  	s5 =	simm.s32 @p1 $0x1;
	p0 =	seq.s32 s7, s2  }
0x1e: {  	s7 =	smul.u32 @!p0 $0xF7A, s2;
	p2 =	seq.s32 @!p0 s5, $0x0  }
0x1f: {  	s9 =	smul.u32 $0xF7A, s1;
	s8 =	simm.s32 @!p0 $0x1BF5;
	p2 =	por !p2, p0  }
0x20: {  	[sflag:s8] =	ssyncset.s32 @!p0 $0xFFFFF086;
	s6 =	sadd.s32 @!p0 s3, s7;
	s7 =	simm.s32 @!p0 $0x108  }
0x21: {  	s3 =	sadd.s32 s3, s9;
	s6 =	sadd.s32 @!p0 $0x88, s6;
	s7 =	simm.s32 @p2 $0x1082  }
0x22: {  	[simem:s7], [sflag:s8] =	dma.local @!p0 [hbm:s6], $0xF7A  }
0x23: {  	s9 =	sor.u32 $0xD0000000, s2;
	s6 =	simm.s32 $0x108;
	_ =	swait.ge @!p0 [sflag:s8], $0x0  }
0x24: {  	s3 =	sadd.s32 $0x88, s3;
	s6 =	simm.s32 @!p1 $0x1082;
	[sflag:s4] =	ssyncset.s32 $0xFFFFF086  }
0x25: {  	[simem:s6], [sflag:s4] =	dma.local [hbm:s3], $0xF7A  }
0x26: {  	[smem:$0x3F9F] =	sst s1;
	(tag) =	ssettag s2;
	_ =	strace s9  }
0x27: {  	s1 =	sld [smem:$0x3FAF]  }
0x28: {  	s2 =	sld [smem:$0x3FB0]  }
0x29: {  	s4 =	sld [smem:$0x3FB2]  }
0x2a: {  	p0 =	seq.s32 s5, $0x0;
	s5 =	sld [smem:$0x3FB3]  }
0x2b: {  	s6 =	sld [smem:$0x3FB4]  }
0x2c: {  	s7 =	sld [smem:$0x3FB5]  }
0x2d: {  	s3 =	simm.s32 $0x108;
	s8 =	sld [smem:$0x3FB6]  }
0x2e: {  	s3 =	simm.s32 @!p0 $0x1082;
	s9 =	sld [smem:$0x3FB7]  }
0x2f: {  	lr =	sadd.s32 s0, s3;
	s0 =	sld [smem:$0x3FAE]  }
0x30: {  	s3 =	sld [smem:$0x3FB1]  }
0x31: {  	[smem:$0x3FBA] =	sst s10  }
0x32: {  	s10 =	sld [smem:$0x3FB8];
	_ =	sdelay $0x3  }
0x33: {  	p0 =	seq.s32 s10, $0x1;
	s10 =	sld [smem:$0x3FBA];
	_ =	sdelay $0x3  }
0x34: {  	[smem:$0x3FBA] =	sst s10  }
0x35: {  	s10 =	sld [smem:$0x3FB9];
	_ =	sdelay $0x3  }
0x36: {  	p1 =	seq.s32 s10, $0x1;
	s10 =	sld [smem:$0x3FBA];
	_ =	sdelay $0x3  }
0x37: {  	[smem:$0x3FBA] =	sst s10  }
0x38: {  	s10 =	sld [smem:$0x3FBB]  }
0x39: {  	_ = 	snop;
	(pc) =	sbr.ind lr, $3  }
0x3a: {  	_ = 	snop  }
0x3b: {  	_ = 	snop  }
0x3c: {  	p2 =	seq.s32 s10, $0x1;
	s10 =	sld [smem:$0x3FBA]  }
0x3d: {  	_ =	shalt  }
0x3e: {  	_ =	shalt  }
0x3f: {  	_ =	shalt  }
0x40: {  	_ =	shalt  }
0x41: {  	_ =	shalt  }
0x42: {  	_ =	shalt  }
0x43: {  	_ =	shalt  }
0x44: {  	_ =	shalt  }
0x45: {  	_ =	shalt  }
0x46: {  	_ =	shalt  }
0x47: {  	_ =	shalt  }
0x48: {  	_ =	shalt  }
0x49: {  	_ =	shalt  }
0x4a: {  	_ =	shalt  }
0x4b: {  	_ =	shalt  }
0x4c: {  	_ =	shalt  }
0x4d: {  	_ =	shalt  }
0x4e: {  	_ =	shalt  }
0x4f: {  	_ =	shalt  }
0x50: {  	_ =	shalt  }
0x51: {  	_ =	shalt  }
0x52: {  	_ =	shalt  }
0x53: {  	_ =	shalt  }
0x54: {  	_ =	shalt  }
0x55: {  	_ =	shalt  }
0x56: {  	_ =	shalt  }
0x57: {  	_ =	shalt  }
0x58: {  	_ =	shalt  }
0x59: {  	_ =	shalt  }
0x5a: {  	_ =	shalt  }
0x5b: {  	_ =	shalt  }
0x5c: {  	_ =	shalt  }
0x5d: {  	_ =	shalt  }
0x5e: {  	_ =	shalt  }
0x5f: {  	_ =	shalt  }
0x60: {  	_ =	shalt  }
0x61: {  	_ =	shalt  }
0x62: {  	_ =	shalt  }
0x63: {  	_ =	shalt  }
0x64: {  	_ =	shalt  }
0x65: {  	_ =	shalt  }
0x66: {  	_ =	shalt  }
0x67: {  	_ =	shalt  }
0x68: {  	_ =	shalt  }
0x69: {  	_ =	shalt  }
0x6a: {  	_ =	shalt  }
0x6b: {  	_ =	shalt  }
0x6c: {  	_ =	shalt  }
0x6d: {  	_ =	shalt  }
0x6e: {  	_ =	shalt  }
0x6f: {  	_ =	shalt  }
0x70: {  	_ =	shalt  }
0x71: {  	_ =	shalt  }
0x72: {  	_ =	shalt  }
0x73: {  	_ =	shalt  }
0x74: {  	_ =	shalt  }
0x75: {  	_ =	shalt  }
0x76: {  	_ =	shalt  }
0x77: {  	_ =	shalt  }
0x78: {  	_ =	shalt  }
0x79: {  	_ =	shalt  }
0x7a: {  	_ =	shalt  }
0x7b: {  	_ =	shalt  }
0x7c: {  	_ =	shalt  }
0x7d: {  	_ =	shalt  }
0x7e: {  	_ =	shalt  }
0x7f: {  	_ =	shalt  }
0x80: {  	_ =	shalt  }
0x81: {  	_ =	shalt  }
0x82: {  	_ =	shalt  }
0x83: {  	_ =	shalt  }
0x84: {  	_ =	shalt  }
0x85: {  	_ =	shalt  }
0x86: {  	_ =	shalt  }
0x87: {  	_ =	shalt  }
.Lfunc_end0:
.L_simem_size_0:
called_computation_lowered:
.L_overlay_start_0:
0x88: {  	s2 =	sld [smem:$0x3FD9]  }
0x89: {  	s3 =	sld [smem:$0x3FFE];
	_ =	sdelay $0x1  }
0x8a: {  	s1 =	srdreg.scid  }
0x8b: {  	s0 =	sand.u32 $0x1, s1  }
0x8c: {  	s17 =	sshll.u32 s0, $0xA;
	s2 =	sadd.s32 s3, s2  }
0x8d: {  	s2 =	sadd.s32 s2, s17  }
0x8e: {  	[smem:$0x3FC6] =	sst s2  }
0x8f: {  	_ = 	snop  }
0x90: {  	s2 =	sld [smem:$0x3FD0];
	(tm) =	ssettm $0x1  }
0x91: {  	s18 =	sld [smem:$0x3FFB];
	_ =	sdelay $0x3  }
0x92: {  	_ =	strace s18  }
0x93: {  	s3 =	sld [smem:$0x3FFC];
	_ =	sdelay $0x3  }
0x94: {  	_ =	strace s3  }
0x95: {  	s3 =	sld [smem:$0x3FFD];
	_ =	sdelay $0x3  }
0x96: {  	_ =	strace s3  }
0x97: {  	_ =	strace $0x8FFFFFFF  }
0x98: {  	s19 =	sld [smem:$0x3FDB];
	_ =	sdelay $0x1  }
0x99: {  	s4 =	simm.s32 $_scs_section_size  }
0x9a: {  	s5 =	simm.s32 $_size__tile_overlayer_lowered;
	s6 =	simm.s32 $_tile_overlayer_lowered  }
0x9b: {  	s22 =	simm.s32 $0x1BFF;
	s21 =	sshll.u32 s6, $0x1;
	s3 =	sadd.s32 s4, s19  }
0x9c: {  	s7 =	simm.s32 $0x0;
	s20 =	sshll.u32 s5, $0x1;
	s5 =	sadd.s32 s21, s3  }
0x9d: {  	[timem:s7], [sflag:s22] =	dma.local [hbm:s5], s20  }
0x9e: {  	_ =	swait.ge [sflag:s22], s20  }
0x9f: {  	s4 =	ssub.s32 $0x0, s20;
	[sflag:s22] =	ssyncset.done $0x0  }
0xa0: {  	[sflag:s22] =	ssyncadd.s32 s4;
	_ =	sdelay $0x1  }
0xa1: {  	s23 =	simm.s32 $0x1B8B  }
0xa2: {  	_ =	swait.ge [sflag:s23], $0x1  }
0xa3: {  	[sflag:s23] =	ssyncset.done $0x0  }
0xa4: {  	s25 =	simm.s32 $0x1B8E;
	s24 =	sld [smem:$0x3FFE];
	[sflag:s23] =	ssyncadd.s32 $0xFFFFFFFF  }
0xa5: {  	s26 =	simm.s32 $execute0_lowered;
	[smem:$0x3FD2] =	sst s25  }
0xa6: {  	s5 =	sshll.u32 s26, $0x1;
	_ =	strace $0x80000046;
	[dreg:$0x1] =	wrdreg $0xFFFFFFFF  }
0xa7: {  	s28 =	simm.s32 $_size_execute0_lowered;
	s3 =	sadd.s32 s3, s5;
	[dreg:$0x0] =	wrdreg $0x0  }
0xa8: {  	s5 =	sshll.u32 s28, $0x1;
	[dreg:$0x2] =	wrdreg s3  }
0xa9: {  	[dreg:$0x3] =	wrdreg s5  }
0xaa: {  	[dreg:$0x4] =	wrdreg $0xC0  }
0xab: {  	_ =	task [dreg:s7], $0x5FFFF  }
0xac: {  	[dreg:$0x1] =	wrdreg $0xFFFFFFFF  }
0xad: {  	[dreg:$0x0] =	wrdreg $0x60  }
0xae: {  	[dreg:$0x2] =	wrdreg s24  }
0xaf: {  	[dreg:$0x3] =	wrdreg s2  }
0xb0: {  	[dreg:$0x4] =	wrdreg $0x9  }
0xb1: {  	_ =	task.clear_ibuf [dreg:s7], $0x5FFFF;
	_ =	strace $0x90000046  }
0xb2: {  	s29 =	simm.s32 $0x9;
	_ =	strace $0x8000004F  }
0xb3: {  	_ =	swait.ge [sflag:s29], $0x1  }
0xb4: {  	[sflag:s29] =	ssyncadd.s32 $0xFFFFFFFF  }
0xb5: {  	_ =	strace $0x9000004F  }
0xb6: {  	_ =	sfence  }
0xb7: {  	s30 =	sld [smem:$0x0];
	_ =	sdelay $0x2  }
0xb8: {  	s31 =	sshll.u32 s1, $0xD;
	s1 =	sshrl.u32 s1, $0x2  }
0xb9: {  	s3 =	sand.u32 $0x4000, s31;
	s1 =	sadd.s32 s1, s30  }
0xba: {  	s0 =	sor.u32 s3, s0;
	s1 =	sshll.u32 s1, $0x11  }
0xbb: {  	s0 =	sor.u32 s1, s0  }
0xbc: {  	s0 =	sadd.s32 $0x8F2B, s0  }
0xbd: {  	[sflag:s0] =	ssyncadd.remote.s32 $0x1  }
0xbe: {  	_ =	sfence.sel $0xFFFF  }
0xbf: {  	[dreg:$0x0] =	wrdreg $0xFFFFFFFF;
	(pc) =	sbr.abs _section_cstart, $3  }
0xc0: {  	[dreg:$0x1] =	wrdreg $0xFFFFFFFF  }
0xc1: {  	_ =	task.clear_ibuf [dreg:s7], $0x2FFFF;
	_ =	strace $0x9FFFFFFF  }
0xc2: {  	(tm) =	ssettm $0x7FFFFFFF  }
0xc3: {  	_ =	shalt  }
tec
execute0_lowered:
.L_overlay_start_1:
0x0: {  	(tag) =	ssettag $0x1  }
0x1: {  	s5 =	rddreg [dreg:$0x0]  }
0x2: {  	s1 =	rddreg [dreg:$0x1]  }
0x3: {  	s0 =	rddreg [dreg:$0x2];
	s2 =	simm.s32 $0x0  }
0x4: {  	s3 =	srdreg.scid;
	s10 =	simm.s32 $0x5;
	s11 =	simm.s32 $0x0  }
0x5: {  	[smem:$0x7FF] =	sst s2;
	s6 =	sand.u32 $0x1, s3;
	s3 =	stileid.u32  }
0x6: {  	s4 =	sadd.s32 $0x600, s5;
	s7 =	sshll.u32 s6, $0x4;
	s6 =	ssub.s32 $0x2, s6  }
0x7: {  	s5 =	sadd.s32 $0x7A1A00, s5;
	s7 =	sor.u32 s3, s7;
	s8 =	sshrl.u32 s6, $0x1  }
0x8: {  	_ =	strace $0x80000047;
	s9 =	smul.u32 $0xC80, s7;
	s8 =	ssub.s32 s6, s8  }
0x9: {  	[dreg:$0x3] =	wrdreg s5;
	s5 =	smul.u32 $0x32, s7;
	s7 =	smax.u32 s8, $0x1  }
0xa: {  	s8 =	simm.s32 $0x1;
	s6 =	sadd.s32 s1, s9;
	s9 =	simm.s32 $0x80  }
.LBB2_1:
0xb: {  	_ =	strace $0x80000048;
	s12 =	simm.s32 $0x1;
	p0 =	por $0x0, $0x0  }
0xc: {  	[tilespmem:s2], [sflag:$0x2] =	stream.linear.gather [hbm4b:s6+s2], $0x200, $0x200038;
	[tilespmem:$0x10400] =	vst v63  }
0xd: {  	s12 =	simm.s32 @p0 $0x0  }
0xe: {  	p5 =	por $0x1, $0x1;
	p3 =	sne.s32 s12, $0x0  }
0xf: {  	p0 =	por !p5, !p3  }
0x10: {  	p0 =	por !p0, !p0  }
0x11: {  	s13 =	sadd.s32 @p0 s5, s12  }
0x12: {  	_ =	strace $0x90000048;
	s14 =	sand.u32 @p0 $0x1, s8;
	s13 =	sshll.u32 @p0 s13, $0x6  }
0x13: {  	s15 =	simm.s32 @p0 $0x0;
	_ =	strace @p0 $0x80000049;
	s13 =	sand.u32 @p0 $0x1FFFFFC0, s13  }
0x14: {  	s16 =	sshll.u32 @p0 s14, $0x9;
	s14 =	sor.u32 @p0 $0x2, s14;
	s13 =	sadd.s32 @p0 s1, s13  }
0x15: {  	[tilespmem:s16], [sflag:s14] =	stream.linear.gather @p0 [hbm4b:s13+s15], $0x200, $0x200038;
	[tilespmem:$0x10400] =	vst v63  }
0x16: {  	s20 =	sand.u32 $0x1, s2;
	_ =	strace @p0 $0x90000049  }
0x17: {  	s22 =	sor.u32 $0x2, s20;
	_ =	strace $0x8000004A  }
0x18: {  	_ =	swait.ge [sflag:s22], $0x200  }
0x19: {  	[sflag:s22] =	ssyncset.done $0x0  }
0x1a: {  	s24 =	simm.s32 $0x0;
	[sflag:s22] =	ssyncadd.s32 $0xFFFFFE00  }
0x1b: {  	p1 =	por $0x1, $0x1;
	s23 =	sshll.u32 s20, $0xF;
	_ =	strace $0x9000004A  }
0x1c: {  	s19 =	sor.u32 $0x400, s23;
	s14 =	sand.u32 $0x200, s24;
	_ =	strace $0x8000004B  }
0x1d: {  	[tilespmem:s19], [sflag:$0x1] =	stream.indirect.gather [hbm4b:s4+s9], $0x40, s14, s9, $0x2000b8;
	[tilespmem:$0x10400] =	vst v63  }
0x1e: {  	p4 =	por $0x0, $0x0;
	s25 =	sor.u32 $0x2400, s23;
	s26 =	sor.u32 $0x80, s14  }
0x1f: {  	[tilespmem:s25], [sflag:$0x1] =	stream.indirect.gather [hbm4b:s4+s9], $0x40, s26, s9, $0x2000b8;
	[tilespmem:$0x10400] =	vst v63  }
0x20: {  	s17 =	simm.s32 $0x1;
	s30 =	sor.u32 $0x4400, s23;
	s31 =	sor.u32 $0x100, s14  }
0x21: {  	[tilespmem:s30], [sflag:$0x1] =	stream.indirect.gather [hbm4b:s4+s9], $0x40, s31, s9, $0x2000b8;
	[tilespmem:$0x10400] =	vst v63  }
0x22: {  	p6 =	por $0x1, $0x1;
	s13 =	sor.u32 $0x6400, s23;
	s14 =	sor.u32 $0x180, s14  }
0x23: {  	[tilespmem:s13], [sflag:$0x1] =	stream.indirect.gather [hbm4b:s4+s9], $0x40, s14, s9, $0x2000b8;
	[tilespmem:$0x10400] =	vst v63  }
0x24: {  	s28 =	simm.s32 $0x1;
	s21 =	simm.s32 $0x0;
	_ =	swait.ge [sflag:s8], $0x2000  }
0x25: {  	p2 =	por p1, p1;
	s18 =	sadd.s32 $0x1, s12;
	[sflag:s8] =	ssyncset.done $0x0  }
0x26: {  	p5 =	por $0x0, $0x0;
	s17 =	simm.s32 @!p0 $0x0;
	[sflag:s8] =	ssyncadd.s32 $0xFFFFE000  }
0x27: {  	s16 =	simm.s32 $0x30;
	s23 =	simm.s32 $0x1;
	_ =	swait.ge [sflag:s8], $0x2000  }
0x28: {  	s23 =	simm.s32 @!p5 $0x0;
	p5 =	seq.s32 s18, $0x32;
	[sflag:s8] =	ssyncset.done $0x0  }
0x29: {  	s15 =	sand.u32 @!p1 $0x1, s2;
	s18 =	simm.s32 @p5 $0x0;
	[sflag:s8] =	ssyncadd.s32 $0xFFFFE000  }
0x2a: {  	p1 =	por $0x0, $0x0;
	p0 =	sne.s32 s12, s18;
	_ =	swait.ge [sflag:s8], $0x2000  }
0x2b: {  	p5 =	por p4, p3;
	p6 =	por !p6, !p0;
	[sflag:s8] =	ssyncset.done $0x0  }
0x2c: {  	s28 =	simm.s32 @!p5 $0x0;
	p3 =	por !p6, !p6;
	[sflag:s8] =	ssyncadd.s32 $0xFFFFE000  }
0x2d: {  	s22 =	sadd.s32 $0x1, s17;
	s17 =	simm.s32 $0x0;
	_ =	swait.ge [sflag:s8], $0x2000  }
0x2e: {  	s24 =	sadd.s32 @p3 s5, s18;
	s26 =	sand.u32 @p3 $0x1, s22;
	[sflag:s8] =	ssyncset.done $0x0  }
0x2f: {  	s13 =	simm.s32 $0x31;
	s14 =	sadd.s32 $0x0, s5;
	[sflag:s8] =	ssyncadd.s32 $0xFFFFE000  }
0x30: {  	s29 =	sshll.u32 @p5 s14, $0xC;
	s14 =	simm.s32 $0x0;
	_ =	strace $0x9000004B  }
.LBB2_2:
0x31: {  	s30 =	sshll.u32 @p3 s24, $0x6;
	_ =	strace @p5 $0x8000004C;
	s20 =	sor.u32 @p5 $0x4, s20  }
0x32: {  	s25 =	smov.u32 s12;
	s29 =	sand.u32 @p5 $0x1FFFF000, s29;
	s17 =	sadd.s32 s28, s17  }
0x33: {  	s21 =	sadd.s32 s28, s21;
	s12 =	sand.u32 @p3 $0x1FFFFFC0, s30;
	s30 =	rddreg [dreg:$0x3]  }
0x34: {  	s31 =	sadd.s32 @p3 s1, s12;
	s12 =	simm.s32 @p5 $0x0;
	s28 =	sadd.s32 @p5 s30, s29  }
0x35: {  	[hbm4b:s28+s12] =	stream.linear.scatter @p5 [tilespmem:s19], [sflag:s20], $0x8000, $0x200038;
	[tilespmem:$0x10400] =	vst v63  }
0x36: {  	_ =	strace @p5 $0x9000004C  }
0x37: {  	s19 =	sor.u32 @!p2 $0x4, s15;
	_ =	strace @!p2 $0x8000004D  }
0x38: {  	_ =	swait.ge @!p2 [sflag:s19], $0x8000  }
0x39: {  	s14 =	sadd.s32 s23, s14;
	[sflag:s19] =	ssyncset.done @!p2 $0x0  }
0x3a: {  	s23 =	sand.u32 @!p1 $0x1, s14;
	[sflag:s19] =	ssyncadd.s32 @!p2 $0xFFFF8000  }
0x3b: {  	s15 =	smov.u32 s23;
	s20 =	simm.s32 @p3 $0x0;
	_ =	strace @!p2 $0x9000004D  }
0x3c: {  	s23 =	sshll.u32 @p3 s26, $0x9;
	s26 =	sor.u32 @p3 $0x2, s26;
	_ =	strace @p3 $0x80000049  }
0x3d: {  	[tilespmem:s23], [sflag:s26] =	stream.linear.gather @p3 [hbm4b:s31+s20], $0x200, $0x200038;
	[tilespmem:$0x10400] =	vst v63  }
0x3e: {  	s30 =	sand.u32 $0x1, s21;
	_ =	strace @p3 $0x90000049  }
0x3f: {  	s28 =	sor.u32 $0x2, s30;
	_ =	strace $0x8000004A  }
0x40: {  	_ =	swait.ge [sflag:s28], $0x200  }
0x41: {  	[sflag:s28] =	ssyncset.done $0x0  }
0x42: {  	s20 =	sand.u32 $0x1, s17;
	[sflag:s28] =	ssyncadd.s32 $0xFFFFFE00  }
0x43: {  	s31 =	sshll.u32 s21, $0x9;
	s30 =	sshll.u32 s20, $0xF;
	_ =	strace $0x9000004A  }
0x44: {  	s26 =	sand.u32 $0x200, s31;
	s19 =	sor.u32 $0x400, s30;
	_ =	strace $0x8000004B  }
0x45: {  	[tilespmem:s19], [sflag:$0x1] =	stream.indirect.gather [hbm4b:s4+s9], $0x40, s26, s9, $0x2000b8;
	[tilespmem:$0x10400] =	vst v63  }
0x46: {  	s24 =	smov.u32 s13;
	s29 =	sor.u32 $0x80, s26;
	s28 =	sor.u32 $0x2400, s30  }
0x47: {  	[tilespmem:s28], [sflag:$0x1] =	stream.indirect.gather [hbm4b:s4+s9], $0x40, s29, s9, $0x2000b8;
	[tilespmem:$0x10400] =	vst v63  }
0x48: {  	s13 =	smov.u32 s16;
	s28 =	sor.u32 $0x4400, s30;
	s29 =	sor.u32 $0x100, s26  }
0x49: {  	[tilespmem:s28], [sflag:$0x1] =	stream.indirect.gather [hbm4b:s4+s9], $0x40, s29, s9, $0x2000b8;
	[tilespmem:$0x10400] =	vst v63  }
0x4a: {  	s16 =	sadd.s32 $0xFFFFFFFF, s16;
	s23 =	sor.u32 $0x6400, s30;
	s26 =	sor.u32 $0x180, s26  }
0x4b: {  	[tilespmem:s23], [sflag:$0x1] =	stream.indirect.gather [hbm4b:s4+s9], $0x40, s26, s9, $0x2000b8;
	[tilespmem:$0x10400] =	vst v63  }
0x4c: {  	p4 =	sne.s32 s16, $0x0;
	s25 =	sadd.s32 s5, s25;
	_ =	swait.ge [sflag:s8], $0x2000  }
0x4d: {  	p6 =	sne.s32 s24, $0x32;
	s12 =	smov.u32 s18;
	[sflag:s8] =	ssyncset.done $0x0  }
0x4e: {  	p5 =	seq.s32 s24, $0x1;
	s24 =	simm.s32 $0x1;
	[sflag:s8] =	ssyncadd.s32 $0xFFFFE000  }
0x4f: {  	s18 =	sadd.s32 $0x1, s18;
	s24 =	simm.s32 @!p3 $0x0;
	_ =	swait.ge [sflag:s8], $0x2000  }
0x50: {  	p5 =	por p5, p0;
	s22 =	sadd.s32 s24, s22;
	[sflag:s8] =	ssyncset.done $0x0  }
0x51: {  	p2 =	por p1, p1;
	p1 =	seq.s32 s13, $0x32;
	[sflag:s8] =	ssyncadd.s32 $0xFFFFE000  }
0x52: {  	s29 =	sshll.u32 @p5 s25, $0xC;
	s23 =	simm.s32 $0x1;
	_ =	swait.ge [sflag:s8], $0x2000  }
0x53: {  	s23 =	simm.s32 @!p6 $0x0;
	p6 =	seq.s32 s18, $0x32;
	[sflag:s8] =	ssyncset.done $0x0  }
.Ltmp0:
0x54: {  	s18 =	simm.s32 @p6 $0x0;
	[sflag:s8] =	ssyncadd.s32 $0xFFFFE000;
	(pc) =	sbr.rel @p4 .LBB2_2-.Ltmp0, $4  }
0x55: {  	p6 =	sne.s32 s13, $0x1;
	p0 =	sne.s32 s12, s18;
	_ =	swait.ge [sflag:s8], $0x2000  }
0x56: {  	s28 =	simm.s32 $0x1;
	p3 =	por !p6, !p0;
	[sflag:s8] =	ssyncset.done $0x0  }
0x57: {  	s28 =	simm.s32 @!p5 $0x0;
	p3 =	por !p3, !p3;
	[sflag:s8] =	ssyncadd.s32 $0xFFFFE000  }
0x58: {  	s26 =	sand.u32 @p3 $0x1, s22;
	s24 =	sadd.s32 @p3 s5, s18;
	_ =	strace $0x9000004B  }
0x59: {  	_ =	strace @p5 $0x8000004C  }
0x5a: {  	s18 =	sand.u32 @p5 $0x1FFFF000, s29;
	s16 =	rddreg [dreg:$0x3]  }
0x5b: {  	s20 =	sor.u32 @p5 $0x4, s20;
	s22 =	simm.s32 @p5 $0x0;
	s16 =	sadd.s32 @p5 s16, s18  }
0x5c: {  	[hbm4b:s16+s22] =	stream.linear.scatter @p5 [tilespmem:s19], [sflag:s20], $0x8000, $0x200038;
	[tilespmem:$0x10400] =	vst v63  }
0x5d: {  	_ =	strace @p5 $0x9000004C  }
0x5e: {  	s15 =	sor.u32 @!p2 $0x4, s15;
	_ =	strace @!p2 $0x8000004D  }
0x5f: {  	_ =	swait.ge @!p2 [sflag:s15], $0x8000  }
0x60: {  	s18 =	simm.s32 @p3 $0x0;
	[sflag:s15] =	ssyncset.done @!p2 $0x0  }
0x61: {  	s16 =	sshll.u32 @p3 s24, $0x6;
	s19 =	sshll.u32 @p3 s26, $0x9;
	[sflag:s15] =	ssyncadd.s32 @!p2 $0xFFFF8000  }
0x62: {  	s24 =	sadd.s32 s28, s21;
	s16 =	sand.u32 @p3 $0x1FFFFFC0, s16;
	_ =	strace @!p2 $0x9000004D  }
0x63: {  	s20 =	sor.u32 @p3 $0x2, s26;
	s16 =	sadd.s32 @p3 s1, s16;
	_ =	strace @p3 $0x80000049  }
0x64: {  	[tilespmem:s19], [sflag:s20] =	stream.linear.gather @p3 [hbm4b:s16+s18], $0x200, $0x200038;
	[tilespmem:$0x10400] =	vst v63  }
0x65: {  	s25 =	sand.u32 $0x1, s24;
	_ =	strace @p3 $0x90000049  }
0x66: {  	s16 =	sor.u32 $0x2, s25;
	_ =	strace $0x8000004A  }
0x67: {  	_ =	swait.ge [sflag:s16], $0x200  }
0x68: {  	s17 =	sadd.s32 s28, s17;
	[sflag:s16] =	ssyncset.done $0x0  }
0x69: {  	s17 =	sand.u32 $0x1, s17;
	[sflag:s16] =	ssyncadd.s32 $0xFFFFFE00  }
0x6a: {  	s26 =	sshll.u32 s17, $0xF;
	s15 =	sshll.u32 s24, $0x9;
	_ =	strace $0x9000004A  }
0x6b: {  	s15 =	sand.u32 $0x200, s15;
	s18 =	sor.u32 $0x400, s26;
	_ =	strace $0x8000004B  }
0x6c: {  	[tilespmem:s18], [sflag:$0x1] =	stream.indirect.gather [hbm4b:s4+s9], $0x40, s15, s9, $0x2000b8;
	[tilespmem:$0x10400] =	vst v63  }
0x6d: {  	s28 =	sor.u32 $0x2400, s26;
	s29 =	sor.u32 $0x80, s15  }
0x6e: {  	[tilespmem:s28], [sflag:$0x1] =	stream.indirect.gather [hbm4b:s4+s9], $0x40, s29, s9, $0x2000b8;
	[tilespmem:$0x10400] =	vst v63  }
0x6f: {  	s30 =	sor.u32 $0x4400, s26;
	s31 =	sor.u32 $0x100, s15  }
0x70: {  	[tilespmem:s30], [sflag:$0x1] =	stream.indirect.gather [hbm4b:s4+s9], $0x40, s31, s9, $0x2000b8;
	[tilespmem:$0x10400] =	vst v63  }
0x71: {  	s16 =	sor.u32 $0x6400, s26;
	s15 =	sor.u32 $0x180, s15  }
0x72: {  	[tilespmem:s16], [sflag:$0x1] =	stream.indirect.gather [hbm4b:s4+s9], $0x40, s15, s9, $0x2000b8;
	[tilespmem:$0x10400] =	vst v63  }
0x73: {  	_ =	swait.ge [sflag:s8], $0x2000  }
0x74: {  	[sflag:s8] =	ssyncset.done $0x0  }
0x75: {  	[sflag:s8] =	ssyncadd.s32 $0xFFFFE000  }
0x76: {  	_ =	swait.ge [sflag:s8], $0x2000  }
0x77: {  	[sflag:s8] =	ssyncset.done $0x0  }
0x78: {  	[sflag:s8] =	ssyncadd.s32 $0xFFFFE000  }
0x79: {  	_ =	swait.ge [sflag:s8], $0x2000  }
0x7a: {  	[sflag:s8] =	ssyncset.done $0x0  }
0x7b: {  	[sflag:s8] =	ssyncadd.s32 $0xFFFFE000  }
0x7c: {  	_ =	swait.ge [sflag:s8], $0x2000  }
0x7d: {  	[sflag:s8] =	ssyncset.done $0x0  }
0x7e: {  	p6 =	seq.s32 s13, $0x1;
	[sflag:s8] =	ssyncadd.s32 $0xFFFFE000  }
0x7f: {  	s12 =	sadd.s32 s5, s12;
	p0 =	por p6, p0;
	_ =	strace $0x9000004B  }
0x80: {  	s12 =	sshll.u32 @p0 s12, $0xC;
	_ =	strace @p0 $0x8000004C  }
0x81: {  	s14 =	sadd.s32 s23, s14;
	s12 =	sand.u32 @p0 $0x1FFFF000, s12;
	s13 =	rddreg [dreg:$0x3]  }
0x82: {  	s15 =	sor.u32 @p0 $0x4, s17;
	s16 =	simm.s32 @p0 $0x0;
	s12 =	sadd.s32 @p0 s13, s12  }
0x83: {  	[hbm4b:s12+s16] =	stream.linear.scatter @p0 [tilespmem:s18], [sflag:s15], $0x8000, $0x200038;
	[tilespmem:$0x10400] =	vst v63  }
0x84: {  	s12 =	sand.u32 @!p1 $0x1, s14;
	p1 =	por p1, p1;
	_ =	strace @p0 $0x9000004C  }
0x85: {  	s12 =	sor.u32 @!p1 $0x4, s12;
	_ =	strace @!p1 $0x8000004D  }
0x86: {  	_ =	swait.ge @!p1 [sflag:s12], $0x8000  }
0x87: {  	[sflag:s12] =	ssyncset.done @!p1 $0x0  }
0x88: {  	s11 =	sadd.s32 $0x1, s11;
	[sflag:s12] =	ssyncadd.s32 @!p1 $0xFFFF8000  }
0x89: {  	p0 =	sne.s32 s11, s7;
	_ =	strace @!p1 $0x9000004D  }
.Ltmp1:
0x8a: {  	_ =	strace $0x8000004E;
	(pc) =	sbr.rel @p0 .LBB2_1-.Ltmp1, $4  }
0x8b: {  	_ =	swait.ge [sflag:s10], $0x8000  }
0x8c: {  	[sflag:s10] =	ssyncset.done $0x0  }
0x8d: {  	[sflag:s10] =	ssyncadd.s32 $0xFFFF8000  }
0x8e: {  	_ =	strace $0x9000004E  }
0x8f: {  	_ =	sfence.sel $0x180000  }
0x90: {  	[bflag:$0x0] =	sbarrier.arrive $0xFFFF  }
0x91: {  	p0 =	sne.s32 s3, $0x0;
	_ =	strace $0x90000047  }
0x92: {  	s0 =	sadd.s32 @!p0 $0x100000, s0;
	[bflag:$0x2] =	sbarrier.arrive $0xFFFF  }
0x93: {  	[sflag:s0] =	ssyncadd.tile.s32 @!p0 $0x1;
	_ =	shalt  }
.Lfunc_end2:
_tile_overlayer_lowered:
.L_overlay_start_2:
0x94: {  	(tag) =	ssettag $0x2  }
0x95: {  	s0 =	rddreg [dreg:$0x0];
	s2 =	stileid.u32  }
0x96: {  	s1 =	rddreg [dreg:$0x1];
	p0 =	sne.s32 s2, $0x0  }
0x97: {  	s3 =	rddreg [dreg:$0x2];
	[bflag:$0x3] =	sbarrier.arrive $0xFFFF;
	s2 =	simm.s32 @!p0 $0x1C02  }
0x98: {  	[timem:s3], [sflag:s2] =	dma.local @!p0 [hbm:s0], s1  }
0x99: {  	s0 =	simm.s32 @!p0 $0x2  }
0x9a: {  	_ =	swait.ge @!p0 [sflag:s0], s1  }
0x9b: {  	s1 =	ssub.s32 @!p0 $0x0, s1;
	[sflag:s0] =	ssyncset.done @!p0 $0x0  }
0x9c: {  	[sflag:s0] =	ssyncadd.s32 @!p0 s1  }
0x9d: {  	[bflag:$0x3] =	sbarrier.arrive $0xFFFF  }
0x9e: {  	_ =	shalt  }

</sc_bundles>
